<compile_context>
chip_gen: v7x
topology: tpu7x:2x2x1
jax: 0.10.2.dev20260603
libtpu: 0.0.44.dev20260713+nightly
codegen_flags: <defaults>
</compile_context>

<pallas_src>
import functools

import jax
import jax.numpy as jnp
from jax import lax
from jax.experimental import pallas as pl
from jax.experimental.pallas import tpu as pltpu
from jax.experimental.pallas import tpu_sc as plsc

_B = 16384
_D = 64
_NCLS = 100000
_L = 16
_NC = 2
_NS = 16
_NW = _NC * _NS
_FPW = _D // _NW
_PC = 4096
_NCHUNK = _B // _PC
_GPC = _PC // _L

_mesh = plsc.VectorSubcoreMesh(core_axis_name="c", subcore_axis_name="s")


@functools.partial(
    pl.kernel,
    mesh=_mesh,
    compiler_params=pltpu.CompilerParams(needs_layout_passes=False),
    out_type=jax.ShapeDtypeStruct((_NW * _L,), jnp.float32),
    scratch_types=[
        pltpu.VMEM_SHARED((_B,), jnp.int32),
        pltpu.VMEM((_B,), jnp.int32),
        pltpu.VMEM((_NCLS,), jnp.float32),
        pltpu.VMEM((_PC,), jnp.float32),
        pltpu.VMEM((_PC,), jnp.float32),
        pltpu.VMEM((_L,), jnp.float32),
        pltpu.SemaphoreType.DMA,
        pltpu.SemaphoreType.DMA,
        pltpu.SemaphoreType.DMA,
    ],
)
def _center_loss_partials(pred_hbm, labels_hbm, center_hbm, out_hbm,
                          lbl_sh, lbl_v, crow_v, pb0, pb1, acc_v,
                          csem, psem0, psem1):
    sid = lax.axis_index("s")
    wid = sid * _NC + lax.axis_index("c")

    pltpu.async_copy(center_hbm.at[wid * _FPW], crow_v, csem)

    @pl.when(sid == 0)
    def _stage_labels():
        pltpu.sync_copy(labels_hbm, lbl_sh)

    plsc.subcore_barrier()
    pltpu.sync_copy(lbl_sh, lbl_v)

    pbufs = (pb0, pb1)
    psems = (psem0, psem1)

    def phase_body(phase, acc):
        f = wid * _FPW + phase
        pcopies = [pltpu.async_copy(
            pred_hbm.at[f, pl.ds(0, _PC)], pb0, psem0)]
        pltpu.make_async_copy(center_hbm.at[f], crow_v, csem).wait()

        for c in range(_NCHUNK):
            if c + 1 < _NCHUNK:
                pcopies.append(pltpu.async_copy(
                    pred_hbm.at[f, pl.ds((c + 1) * _PC, _PC)],
                    pbufs[(c + 1) % 2], psems[(c + 1) % 2]))
            pcopies[c].wait()
            pbuf = pbufs[c % 2]

            def group_body(g, a, c=c, pbuf=pbuf):
                lvec = lbl_v[pl.ds(c * _PC + g * _L, _L)]
                cvec = plsc.load_gather(crow_v, [lvec])
                pvec = pbuf[pl.ds(g * _L, _L)]
                d = pvec - cvec
                return a + d * d

            acc = lax.fori_loop(0, _GPC, group_body, acc, unroll=8)

        @pl.when(phase + 1 < _FPW)
        def _fire_next_crow():
            pltpu.async_copy(center_hbm.at[f + 1], crow_v, csem)

        return acc

    acc = lax.fori_loop(0, _FPW, phase_body, jnp.zeros((_L,), jnp.float32))

    acc_v[...] = acc * (0.5 / _B)
    pltpu.sync_copy(acc_v, out_hbm.at[pl.ds(wid * _L, _L)])


def kernel(pred, labels, center):
    partials = _center_loss_partials(pred.T, labels, center.T)
    return jnp.sum(partials)

# --- scband reference (transcript-rebuilt; emitter-appended) ---
"""Pipeline reference for scband-center-loss-46050639347763 (READ-ONLY COPY).

The authoritative reference and input builder live on the scoring server;
editing this copy changes nothing except your own understanding.
"""

import jax, jax.numpy as jnp
import numpy as np

NUM_CLASSES = 100000
FEAT_DIM = 64
BATCH = 16384

def setup_inputs(seed: int = 0):
    key = jax.random.key(seed)
    k1, k2, k3 = jax.random.split(key, 3)
    pred = jax.random.normal(k1, (BATCH, FEAT_DIM), dtype=jnp.float32)
    labels = jax.random.randint(k2, (BATCH,), 0, NUM_CLASSES, dtype=jnp.int32)
    center = jax.random.normal(k3, (NUM_CLASSES, FEAT_DIM), dtype=jnp.float32)
    return {"pred": pred, "labels": labels, "center": center}

def reference(pred, labels, center):
    # centers = self.center[labels]  (embedding gather)
    centers = jnp.take(center, labels, axis=0)
    # MSE with reduction='sum'
    loss = jnp.sum((pred - centers) ** 2)
    loss = loss / labels.shape[0]
    loss = loss / 2
    return loss

if __name__ == "__main__":
    import jax
    _d = setup_inputs()
    print(jax.jit(kernel)(*tuple(_d.values())))

</pallas_src>

<mosaic_0001>
#map = affine_map<(d0, d1) -> (0, 0)>
#map1 = affine_map<(d0, d1) -> (0)>
module attributes {stable_mosaic.version = 14 : i64} {
  func.func @_center_loss_partials(%arg0: i32, %arg1: i32, %arg2: memref<64x16384xf32, #tpu.memory_space<hbm>>, %arg3: memref<16384xi32, #tpu.memory_space<hbm>>, %arg4: memref<64x100000xf32, #tpu.memory_space<hbm>>, %arg5: memref<512xf32, #tpu.memory_space<hbm>>, %arg6: memref<16384xi32, #tpu.memory_space<vmem_shared>>, %arg7: memref<16384xi32, #tpu.memory_space<vmem>>, %arg8: memref<100000xf32, #tpu.memory_space<vmem>>, %arg9: memref<4096xf32, #tpu.memory_space<vmem>>, %arg10: memref<4096xf32, #tpu.memory_space<vmem>>, %arg11: memref<16xf32, #tpu.memory_space<vmem>>, %arg12: memref<!tpu.dma_semaphore, #tpu.memory_space<semaphore_mem>>, %arg13: memref<!tpu.dma_semaphore, #tpu.memory_space<semaphore_mem>>, %arg14: memref<!tpu.dma_semaphore, #tpu.memory_space<semaphore_mem>>) attributes {dimension_semantics = [#tpu.dimension_semantics<core_parallel>, #tpu.dimension_semantics<subcore_parallel>], iteration_bounds = array<i64: 2, 16>, scalar_prefetch = 0 : i64, scratch_operands = 9 : i64, tpu.core_type = #tpu.core_type<sc_vector_subcore>, window_params = [{transform_indices = #map}, {transform_indices = #map1}, {transform_indices = #map}, {transform_indices = #map1}]} {
    %mul3A = arith.constant 2 : i32
    %mul3A_0 = arith.muli %arg1, %mul3A : i32
    %add3A = arith.addi %mul3A_0, %arg0 : i32
    %mul3A_1 = arith.constant 2 : i32
    %mul3A_2 = arith.muli %add3A, %mul3A_1 : i32
    %dma_start3A = arith.constant 0 : i32
    %dma_start3A_3 = tpu.memref_slice %arg4[%mul3A_2, %dma_start3A] : memref<64x100000xf32, #tpu.memory_space<hbm>> -> memref<1x100000xf32, #tpu.memory_space<hbm>>
    %dma_start3A_4 = tpu.memref_squeeze %dma_start3A_3 : memref<1x100000xf32, #tpu.memory_space<hbm>> -> memref<100000xf32, #tpu.memory_space<hbm>>
    %dma_start3A_5 = arith.constant 0 : i32
    %dma_start3A_6 = tpu.memref_slice %arg4[%mul3A_2, %dma_start3A_5] : memref<64x100000xf32, #tpu.memory_space<hbm>> -> memref<1x100000xf32, #tpu.memory_space<hbm>>
    %dma_start3A_7 = tpu.memref_squeeze %dma_start3A_6 : memref<1x100000xf32, #tpu.memory_space<hbm>> -> memref<100000xf32, #tpu.memory_space<hbm>>
    tpu.enqueue_dma source(%dma_start3A_7 : memref<100000xf32, #tpu.memory_space<hbm>>) target(%arg8 : memref<100000xf32, #tpu.memory_space<vmem>>) target_semaphore(%arg12 : memref<!tpu.dma_semaphore, #tpu.memory_space<semaphore_mem>>)
    %eq3A = arith.constant 0 : i32
    %eq3A_8 = arith.cmpi eq, %arg1, %eq3A : i32
    %convert_element_type3A = arith.extui %eq3A_8 : i1 to i32
    %cond3A = arith.constant 0 : i32
    %cond3A_9 = arith.cmpi ne, %convert_element_type3A, %cond3A : i32
    scf.if %cond3A_9 {
      "tpu.region"() ({
        %run_scoped3A = tpu.sem_alloc : memref<!tpu.dma_semaphore, #tpu.memory_space<semaphore_mem>>
        tpu.enqueue_dma source(%arg3 : memref<16384xi32, #tpu.memory_space<hbm>>) target(%arg6 : memref<16384xi32, #tpu.memory_space<vmem_shared>>) target_semaphore(%run_scoped3A : memref<!tpu.dma_semaphore, #tpu.memory_space<semaphore_mem>>)
        tpu.wait_dma2 semaphore(%run_scoped3A : memref<!tpu.dma_semaphore, #tpu.memory_space<semaphore_mem>>) src(%arg3 : memref<16384xi32, #tpu.memory_space<hbm>>) dst(%arg6 : memref<16384xi32, #tpu.memory_space<vmem_shared>>)
        tpu.yield
      }) : () -> ()
    } else {
    }
    %barrier3A = arith.constant 0 : index
    tpu.barrier barrier_id(%barrier3A)
    "tpu.region"() ({
      %run_scoped3A = tpu.sem_alloc : memref<!tpu.dma_semaphore, #tpu.memory_space<semaphore_mem>>
      tpu.enqueue_dma source(%arg6 : memref<16384xi32, #tpu.memory_space<vmem_shared>>) target(%arg7 : memref<16384xi32, #tpu.memory_space<vmem>>) target_semaphore(%run_scoped3A : memref<!tpu.dma_semaphore, #tpu.memory_space<semaphore_mem>>)
      tpu.wait_dma2 semaphore(%run_scoped3A : memref<!tpu.dma_semaphore, #tpu.memory_space<semaphore_mem>>) src(%arg6 : memref<16384xi32, #tpu.memory_space<vmem_shared>>) dst(%arg7 : memref<16384xi32, #tpu.memory_space<vmem>>)
      tpu.yield
    }) : () -> ()
    %broadcast_in_dim3A = arith.constant 0.000000e+00 : f32
    %broadcast_in_dim3A_10 = vector.broadcast %broadcast_in_dim3A : f32 to vector<16xf32>
    %scan3A = arith.constant 0 : i32
    %scan3A_11 = arith.constant 2 : i32
    %scan3A_12 = arith.addi %scan3A, %scan3A_11 : i32
    %scan3A_13 = arith.constant 1 : i32
    %scan3A_14 = scf.for %scan3A_22 = %scan3A to %scan3A_12 step %scan3A_13 iter_args(%scan3A_23 = %broadcast_in_dim3A_10) -> (vector<16xf32>)  : i32 {
      %mul3A_24 = arith.constant 2 : i32
      %mul3A_25 = arith.muli %add3A, %mul3A_24 : i32
      %add3A_26 = arith.addi %mul3A_25, %scan3A_22 : i32
      %dma_start3A_27 = arith.constant 0 : i32
      %dma_start3A_28 = tpu.memref_slice %arg2[%add3A_26, %dma_start3A_27] : memref<64x16384xf32, #tpu.memory_space<hbm>> -> memref<1x4096xf32, #tpu.memory_space<hbm>>
      %dma_start3A_29 = tpu.memref_squeeze %dma_start3A_28 : memref<1x4096xf32, #tpu.memory_space<hbm>> -> memref<4096xf32, #tpu.memory_space<hbm>>
      %dma_start3A_30 = arith.constant 0 : i32
      %dma_start3A_31 = tpu.memref_slice %arg2[%add3A_26, %dma_start3A_30] : memref<64x16384xf32, #tpu.memory_space<hbm>> -> memref<1x4096xf32, #tpu.memory_space<hbm>>
      %dma_start3A_32 = tpu.memref_squeeze %dma_start3A_31 : memref<1x4096xf32, #tpu.memory_space<hbm>> -> memref<4096xf32, #tpu.memory_space<hbm>>
      tpu.enqueue_dma source(%dma_start3A_32 : memref<4096xf32, #tpu.memory_space<hbm>>) target(%arg9 : memref<4096xf32, #tpu.memory_space<vmem>>) target_semaphore(%arg13 : memref<!tpu.dma_semaphore, #tpu.memory_space<semaphore_mem>>)
      %dma_wait3A = arith.constant 0 : i32
      %dma_wait3A_33 = tpu.memref_slice %arg4[%add3A_26, %dma_wait3A] : memref<64x100000xf32, #tpu.memory_space<hbm>> -> memref<1x100000xf32, #tpu.memory_space<hbm>>
      %dma_wait3A_34 = tpu.memref_squeeze %dma_wait3A_33 : memref<1x100000xf32, #tpu.memory_space<hbm>> -> memref<100000xf32, #tpu.memory_space<hbm>>
      %dma_wait3A_35 = arith.constant 0 : i32
      %dma_wait3A_36 = tpu.memref_slice %arg4[%add3A_26, %dma_wait3A_35] : memref<64x100000xf32, #tpu.memory_space<hbm>> -> memref<1x100000xf32, #tpu.memory_space<hbm>>
      %dma_wait3A_37 = tpu.memref_squeeze %dma_wait3A_36 : memref<1x100000xf32, #tpu.memory_space<hbm>> -> memref<100000xf32, #tpu.memory_space<hbm>>
      tpu.wait_dma2 semaphore(%arg12 : memref<!tpu.dma_semaphore, #tpu.memory_space<semaphore_mem>>) src(%dma_wait3A_37 : memref<100000xf32, #tpu.memory_space<hbm>>) dst(%arg8 : memref<100000xf32, #tpu.memory_space<vmem>>)
      %dma_start3A_38 = arith.constant 4096 : i32
      %dma_start3A_39 = tpu.memref_slice %arg2[%add3A_26, %dma_start3A_38] : memref<64x16384xf32, #tpu.memory_space<hbm>> -> memref<1x4096xf32, #tpu.memory_space<hbm>>
      %dma_start3A_40 = tpu.memref_squeeze %dma_start3A_39 : memref<1x4096xf32, #tpu.memory_space<hbm>> -> memref<4096xf32, #tpu.memory_space<hbm>>
      %dma_start3A_41 = arith.constant 4096 : i32
      %dma_start3A_42 = tpu.memref_slice %arg2[%add3A_26, %dma_start3A_41] : memref<64x16384xf32, #tpu.memory_space<hbm>> -> memref<1x4096xf32, #tpu.memory_space<hbm>>
      %dma_start3A_43 = tpu.memref_squeeze %dma_start3A_42 : memref<1x4096xf32, #tpu.memory_space<hbm>> -> memref<4096xf32, #tpu.memory_space<hbm>>
      tpu.enqueue_dma source(%dma_start3A_43 : memref<4096xf32, #tpu.memory_space<hbm>>) target(%arg10 : memref<4096xf32, #tpu.memory_space<vmem>>) target_semaphore(%arg14 : memref<!tpu.dma_semaphore, #tpu.memory_space<semaphore_mem>>)
      %dma_wait3A_44 = arith.constant 0 : i32
      %dma_wait3A_45 = tpu.memref_slice %arg2[%add3A_26, %dma_wait3A_44] : memref<64x16384xf32, #tpu.memory_space<hbm>> -> memref<1x4096xf32, #tpu.memory_space<hbm>>
      %dma_wait3A_46 = tpu.memref_squeeze %dma_wait3A_45 : memref<1x4096xf32, #tpu.memory_space<hbm>> -> memref<4096xf32, #tpu.memory_space<hbm>>
      %dma_wait3A_47 = arith.constant 0 : i32
      %dma_wait3A_48 = tpu.memref_slice %arg2[%add3A_26, %dma_wait3A_47] : memref<64x16384xf32, #tpu.memory_space<hbm>> -> memref<1x4096xf32, #tpu.memory_space<hbm>>
      %dma_wait3A_49 = tpu.memref_squeeze %dma_wait3A_48 : memref<1x4096xf32, #tpu.memory_space<hbm>> -> memref<4096xf32, #tpu.memory_space<hbm>>
      tpu.wait_dma2 semaphore(%arg13 : memref<!tpu.dma_semaphore, #tpu.memory_space<semaphore_mem>>) src(%dma_wait3A_49 : memref<4096xf32, #tpu.memory_space<hbm>>) dst(%arg9 : memref<4096xf32, #tpu.memory_space<vmem>>)
      %scan3A_50 = arith.constant 0 : i32
      %scan3A_51 = arith.constant 256 : i32
      %scan3A_52 = arith.addi %scan3A_50, %scan3A_51 : i32
      %scan3A_53 = arith.constant 8 : i32
      %scan3A_54 = scf.for %scan3A_110 = %scan3A_50 to %scan3A_52 step %scan3A_53 iter_args(%scan3A_111 = %scan3A_23) -> (vector<16xf32>)  : i32 {
        %mul3A_112 = arith.constant 16 : i32
        %mul3A_113 = arith.muli %scan3A_110, %mul3A_112 : i32
        %add3A_114 = arith.constant 0 : i32
        %add3A_115 = arith.addi %add3A_114, %mul3A_113 : i32
        %get3A = arith.index_cast %add3A_115 : i32 to index
        %get3A_116 = tpu.vector_load %arg7[%get3A] {strides = array<i32>} : memref<16384xi32, #tpu.memory_space<vmem>>, vector<16xi32>,
        %gather3A = tpu.vector_load_idx %arg8[%get3A_116] : memref<100000xf32, #tpu.memory_space<vmem>>[vector<16xi32>], vector<16xf32>,
        %mul3A_117 = arith.constant 16 : i32
        %mul3A_118 = arith.muli %scan3A_110, %mul3A_117 : i32
        %get3A_119 = arith.index_cast %mul3A_118 : i32 to index
        %get3A_120 = tpu.vector_load %arg9[%get3A_119] {strides = array<i32>} : memref<4096xf32, #tpu.memory_space<vmem>>, vector<16xf32>,
        %sub3A = arith.subf %get3A_120, %gather3A : vector<16xf32>
        %mul3A_121 = arith.mulf %sub3A, %sub3A : vector<16xf32>
        %add3A_122 = arith.addf %scan3A_111, %mul3A_121 : vector<16xf32>
        %scan3A_123 = arith.constant 1 : i32
        %scan3A_124 = arith.addi %scan3A_110, %scan3A_123 : i32
        %mul3A_125 = arith.constant 16 : i32
        %mul3A_126 = arith.muli %scan3A_124, %mul3A_125 : i32
        %add3A_127 = arith.constant 0 : i32
        %add3A_128 = arith.addi %add3A_127, %mul3A_126 : i32
        %get3A_129 = arith.index_cast %add3A_128 : i32 to index
        %get3A_130 = tpu.vector_load %arg7[%get3A_129] {strides = array<i32>} : memref<16384xi32, #tpu.memory_space<vmem>>, vector<16xi32>,
        %gather3A_131 = tpu.vector_load_idx %arg8[%get3A_130] : memref<100000xf32, #tpu.memory_space<vmem>>[vector<16xi32>], vector<16xf32>,
        %mul3A_132 = arith.constant 16 : i32
        %mul3A_133 = arith.muli %scan3A_124, %mul3A_132 : i32
        %get3A_134 = arith.index_cast %mul3A_133 : i32 to index
        %get3A_135 = tpu.vector_load %arg9[%get3A_134] {strides = array<i32>} : memref<4096xf32, #tpu.memory_space<vmem>>, vector<16xf32>,
        %sub3A_136 = arith.subf %get3A_135, %gather3A_131 : vector<16xf32>
        %mul3A_137 = arith.mulf %sub3A_136, %sub3A_136 : vector<16xf32>
        %add3A_138 = arith.addf %add3A_122, %mul3A_137 : vector<16xf32>
        %scan3A_139 = arith.constant 2 : i32
        %scan3A_140 = arith.addi %scan3A_110, %scan3A_139 : i32
        %mul3A_141 = arith.constant 16 : i32
        %mul3A_142 = arith.muli %scan3A_140, %mul3A_141 : i32
        %add3A_143 = arith.constant 0 : i32
        %add3A_144 = arith.addi %add3A_143, %mul3A_142 : i32
        %get3A_145 = arith.index_cast %add3A_144 : i32 to index
        %get3A_146 = tpu.vector_load %arg7[%get3A_145] {strides = array<i32>} : memref<16384xi32, #tpu.memory_space<vmem>>, vector<16xi32>,
        %gather3A_147 = tpu.vector_load_idx %arg8[%get3A_146] : memref<100000xf32, #tpu.memory_space<vmem>>[vector<16xi32>], vector<16xf32>,
        %mul3A_148 = arith.constant 16 : i32
        %mul3A_149 = arith.muli %scan3A_140, %mul3A_148 : i32
        %get3A_150 = arith.index_cast %mul3A_149 : i32 to index
        %get3A_151 = tpu.vector_load %arg9[%get3A_150] {strides = array<i32>} : memref<4096xf32, #tpu.memory_space<vmem>>, vector<16xf32>,
        %sub3A_152 = arith.subf %get3A_151, %gather3A_147 : vector<16xf32>
        %mul3A_153 = arith.mulf %sub3A_152, %sub3A_152 : vector<16xf32>
        %add3A_154 = arith.addf %add3A_138, %mul3A_153 : vector<16xf32>
        %scan3A_155 = arith.constant 3 : i32
        %scan3A_156 = arith.addi %scan3A_110, %scan3A_155 : i32
        %mul3A_157 = arith.constant 16 : i32
        %mul3A_158 = arith.muli %scan3A_156, %mul3A_157 : i32
        %add3A_159 = arith.constant 0 : i32
        %add3A_160 = arith.addi %add3A_159, %mul3A_158 : i32
        %get3A_161 = arith.index_cast %add3A_160 : i32 to index
        %get3A_162 = tpu.vector_load %arg7[%get3A_161] {strides = array<i32>} : memref<16384xi32, #tpu.memory_space<vmem>>, vector<16xi32>,
        %gather3A_163 = tpu.vector_load_idx %arg8[%get3A_162] : memref<100000xf32, #tpu.memory_space<vmem>>[vector<16xi32>], vector<16xf32>,
        %mul3A_164 = arith.constant 16 : i32
        %mul3A_165 = arith.muli %scan3A_156, %mul3A_164 : i32
        %get3A_166 = arith.index_cast %mul3A_165 : i32 to index
        %get3A_167 = tpu.vector_load %arg9[%get3A_166] {strides = array<i32>} : memref<4096xf32, #tpu.memory_space<vmem>>, vector<16xf32>,
        %sub3A_168 = arith.subf %get3A_167, %gather3A_163 : vector<16xf32>
        %mul3A_169 = arith.mulf %sub3A_168, %sub3A_168 : vector<16xf32>
        %add3A_170 = arith.addf %add3A_154, %mul3A_169 : vector<16xf32>
        %scan3A_171 = arith.constant 4 : i32
        %scan3A_172 = arith.addi %scan3A_110, %scan3A_171 : i32
        %mul3A_173 = arith.constant 16 : i32
        %mul3A_174 = arith.muli %scan3A_172, %mul3A_173 : i32
        %add3A_175 = arith.constant 0 : i32
        %add3A_176 = arith.addi %add3A_175, %mul3A_174 : i32
        %get3A_177 = arith.index_cast %add3A_176 : i32 to index
        %get3A_178 = tpu.vector_load %arg7[%get3A_177] {strides = array<i32>} : memref<16384xi32, #tpu.memory_space<vmem>>, vector<16xi32>,
        %gather3A_179 = tpu.vector_load_idx %arg8[%get3A_178] : memref<100000xf32, #tpu.memory_space<vmem>>[vector<16xi32>], vector<16xf32>,
        %mul3A_180 = arith.constant 16 : i32
        %mul3A_181 = arith.muli %scan3A_172, %mul3A_180 : i32
        %get3A_182 = arith.index_cast %mul3A_181 : i32 to index
        %get3A_183 = tpu.vector_load %arg9[%get3A_182] {strides = array<i32>} : memref<4096xf32, #tpu.memory_space<vmem>>, vector<16xf32>,
        %sub3A_184 = arith.subf %get3A_183, %gather3A_179 : vector<16xf32>
        %mul3A_185 = arith.mulf %sub3A_184, %sub3A_184 : vector<16xf32>
        %add3A_186 = arith.addf %add3A_170, %mul3A_185 : vector<16xf32>
        %scan3A_187 = arith.constant 5 : i32
        %scan3A_188 = arith.addi %scan3A_110, %scan3A_187 : i32
        %mul3A_189 = arith.constant 16 : i32
        %mul3A_190 = arith.muli %scan3A_188, %mul3A_189 : i32
        %add3A_191 = arith.constant 0 : i32
        %add3A_192 = arith.addi %add3A_191, %mul3A_190 : i32
        %get3A_193 = arith.index_cast %add3A_192 : i32 to index
        %get3A_194 = tpu.vector_load %arg7[%get3A_193] {strides = array<i32>} : memref<16384xi32, #tpu.memory_space<vmem>>, vector<16xi32>,
        %gather3A_195 = tpu.vector_load_idx %arg8[%get3A_194] : memref<100000xf32, #tpu.memory_space<vmem>>[vector<16xi32>], vector<16xf32>,
        %mul3A_196 = arith.constant 16 : i32
        %mul3A_197 = arith.muli %scan3A_188, %mul3A_196 : i32
        %get3A_198 = arith.index_cast %mul3A_197 : i32 to index
        %get3A_199 = tpu.vector_load %arg9[%get3A_198] {strides = array<i32>} : memref<4096xf32, #tpu.memory_space<vmem>>, vector<16xf32>,
        %sub3A_200 = arith.subf %get3A_199, %gather3A_195 : vector<16xf32>
        %mul3A_201 = arith.mulf %sub3A_200, %sub3A_200 : vector<16xf32>
        %add3A_202 = arith.addf %add3A_186, %mul3A_201 : vector<16xf32>
        %scan3A_203 = arith.constant 6 : i32
        %scan3A_204 = arith.addi %scan3A_110, %scan3A_203 : i32
        %mul3A_205 = arith.constant 16 : i32
        %mul3A_206 = arith.muli %scan3A_204, %mul3A_205 : i32
        %add3A_207 = arith.constant 0 : i32
        %add3A_208 = arith.addi %add3A_207, %mul3A_206 : i32
        %get3A_209 = arith.index_cast %add3A_208 : i32 to index
        %get3A_210 = tpu.vector_load %arg7[%get3A_209] {strides = array<i32>} : memref<16384xi32, #tpu.memory_space<vmem>>, vector<16xi32>,
        %gather3A_211 = tpu.vector_load_idx %arg8[%get3A_210] : memref<100000xf32, #tpu.memory_space<vmem>>[vector<16xi32>], vector<16xf32>,
        %mul3A_212 = arith.constant 16 : i32
        %mul3A_213 = arith.muli %scan3A_204, %mul3A_212 : i32
        %get3A_214 = arith.index_cast %mul3A_213 : i32 to index
        %get3A_215 = tpu.vector_load %arg9[%get3A_214] {strides = array<i32>} : memref<4096xf32, #tpu.memory_space<vmem>>, vector<16xf32>,
        %sub3A_216 = arith.subf %get3A_215, %gather3A_211 : vector<16xf32>
        %mul3A_217 = arith.mulf %sub3A_216, %sub3A_216 : vector<16xf32>
        %add3A_218 = arith.addf %add3A_202, %mul3A_217 : vector<16xf32>
        %scan3A_219 = arith.constant 7 : i32
        %scan3A_220 = arith.addi %scan3A_110, %scan3A_219 : i32
        %mul3A_221 = arith.constant 16 : i32
        %mul3A_222 = arith.muli %scan3A_220, %mul3A_221 : i32
        %add3A_223 = arith.constant 0 : i32
        %add3A_224 = arith.addi %add3A_223, %mul3A_222 : i32
        %get3A_225 = arith.index_cast %add3A_224 : i32 to index
        %get3A_226 = tpu.vector_load %arg7[%get3A_225] {strides = array<i32>} : memref<16384xi32, #tpu.memory_space<vmem>>, vector<16xi32>,
        %gather3A_227 = tpu.vector_load_idx %arg8[%get3A_226] : memref<100000xf32, #tpu.memory_space<vmem>>[vector<16xi32>], vector<16xf32>,
        %mul3A_228 = arith.constant 16 : i32
        %mul3A_229 = arith.muli %scan3A_220, %mul3A_228 : i32
        %get3A_230 = arith.index_cast %mul3A_229 : i32 to index
        %get3A_231 = tpu.vector_load %arg9[%get3A_230] {strides = array<i32>} : memref<4096xf32, #tpu.memory_space<vmem>>, vector<16xf32>,
        %sub3A_232 = arith.subf %get3A_231, %gather3A_227 : vector<16xf32>
        %mul3A_233 = arith.mulf %sub3A_232, %sub3A_232 : vector<16xf32>
        %add3A_234 = arith.addf %add3A_218, %mul3A_233 : vector<16xf32>
        scf.yield %add3A_234 : vector<16xf32>
      }
      %scan3A_55 = arith.constant 256 : i32
      %dma_start3A_56 = arith.constant 8192 : i32
      %dma_start3A_57 = tpu.memref_slice %arg2[%add3A_26, %dma_start3A_56] : memref<64x16384xf32, #tpu.memory_space<hbm>> -> memref<1x4096xf32, #tpu.memory_space<hbm>>
      %dma_start3A_58 = tpu.memref_squeeze %dma_start3A_57 : memref<1x4096xf32, #tpu.memory_space<hbm>> -> memref<4096xf32, #tpu.memory_space<hbm>>
      %dma_start3A_59 = arith.constant 8192 : i32
      %dma_start3A_60 = tpu.memref_slice %arg2[%add3A_26, %dma_start3A_59] : memref<64x16384xf32, #tpu.memory_space<hbm>> -> memref<1x4096xf32, #tpu.memory_space<hbm>>
      %dma_start3A_61 = tpu.memref_squeeze %dma_start3A_60 : memref<1x4096xf32, #tpu.memory_space<hbm>> -> memref<4096xf32, #tpu.memory_space<hbm>>
      tpu.enqueue_dma source(%dma_start3A_61 : memref<4096xf32, #tpu.memory_space<hbm>>) target(%arg9 : memref<4096xf32, #tpu.memory_space<vmem>>) target_semaphore(%arg13 : memref<!tpu.dma_semaphore, #tpu.memory_space<semaphore_mem>>)
      %dma_wait3A_62 = arith.constant 4096 : i32
      %dma_wait3A_63 = tpu.memref_slice %arg2[%add3A_26, %dma_wait3A_62] : memref<64x16384xf32, #tpu.memory_space<hbm>> -> memref<1x4096xf32, #tpu.memory_space<hbm>>
      %dma_wait3A_64 = tpu.memref_squeeze %dma_wait3A_63 : memref<1x4096xf32, #tpu.memory_space<hbm>> -> memref<4096xf32, #tpu.memory_space<hbm>>
      %dma_wait3A_65 = arith.constant 4096 : i32
      %dma_wait3A_66 = tpu.memref_slice %arg2[%add3A_26, %dma_wait3A_65] : memref<64x16384xf32, #tpu.memory_space<hbm>> -> memref<1x4096xf32, #tpu.memory_space<hbm>>
      %dma_wait3A_67 = tpu.memref_squeeze %dma_wait3A_66 : memref<1x4096xf32, #tpu.memory_space<hbm>> -> memref<4096xf32, #tpu.memory_space<hbm>>
      tpu.wait_dma2 semaphore(%arg14 : memref<!tpu.dma_semaphore, #tpu.memory_space<semaphore_mem>>) src(%dma_wait3A_67 : memref<4096xf32, #tpu.memory_space<hbm>>) dst(%arg10 : memref<4096xf32, #tpu.memory_space<vmem>>)
      %scan3A_68 = arith.constant 0 : i32
      %scan3A_69 = arith.constant 256 : i32
      %scan3A_70 = arith.addi %scan3A_68, %scan3A_69 : i32
      %scan3A_71 = arith.constant 8 : i32
      %scan3A_72 = scf.for %scan3A_110 = %scan3A_68 to %scan3A_70 step %scan3A_71 iter_args(%scan3A_111 = %scan3A_54) -> (vector<16xf32>)  : i32 {
        %mul3A_112 = arith.constant 16 : i32
        %mul3A_113 = arith.muli %scan3A_110, %mul3A_112 : i32
        %add3A_114 = arith.constant 4096 : i32
        %add3A_115 = arith.addi %add3A_114, %mul3A_113 : i32
        %get3A = arith.index_cast %add3A_115 : i32 to index
        %get3A_116 = tpu.vector_load %arg7[%get3A] {strides = array<i32>} : memref<16384xi32, #tpu.memory_space<vmem>>, vector<16xi32>,
        %gather3A = tpu.vector_load_idx %arg8[%get3A_116] : memref<100000xf32, #tpu.memory_space<vmem>>[vector<16xi32>], vector<16xf32>,
        %mul3A_117 = arith.constant 16 : i32
        %mul3A_118 = arith.muli %scan3A_110, %mul3A_117 : i32
        %get3A_119 = arith.index_cast %mul3A_118 : i32 to index
        %get3A_120 = tpu.vector_load %arg10[%get3A_119] {strides = array<i32>} : memref<4096xf32, #tpu.memory_space<vmem>>, vector<16xf32>,
        %sub3A = arith.subf %get3A_120, %gather3A : vector<16xf32>
        %mul3A_121 = arith.mulf %sub3A, %sub3A : vector<16xf32>
        %add3A_122 = arith.addf %scan3A_111, %mul3A_121 : vector<16xf32>
        %scan3A_123 = arith.constant 1 : i32
        %scan3A_124 = arith.addi %scan3A_110, %scan3A_123 : i32
        %mul3A_125 = arith.constant 16 : i32
        %mul3A_126 = arith.muli %scan3A_124, %mul3A_125 : i32
        %add3A_127 = arith.constant 4096 : i32
        %add3A_128 = arith.addi %add3A_127, %mul3A_126 : i32
        %get3A_129 = arith.index_cast %add3A_128 : i32 to index
        %get3A_130 = tpu.vector_load %arg7[%get3A_129] {strides = array<i32>} : memref<16384xi32, #tpu.memory_space<vmem>>, vector<16xi32>,
        %gather3A_131 = tpu.vector_load_idx %arg8[%get3A_130] : memref<100000xf32, #tpu.memory_space<vmem>>[vector<16xi32>], vector<16xf32>,
        %mul3A_132 = arith.constant 16 : i32
        %mul3A_133 = arith.muli %scan3A_124, %mul3A_132 : i32
        %get3A_134 = arith.index_cast %mul3A_133 : i32 to index
        %get3A_135 = tpu.vector_load %arg10[%get3A_134] {strides = array<i32>} : memref<4096xf32, #tpu.memory_space<vmem>>, vector<16xf32>,
        %sub3A_136 = arith.subf %get3A_135, %gather3A_131 : vector<16xf32>
        %mul3A_137 = arith.mulf %sub3A_136, %sub3A_136 : vector<16xf32>
        %add3A_138 = arith.addf %add3A_122, %mul3A_137 : vector<16xf32>
        %scan3A_139 = arith.constant 2 : i32
        %scan3A_140 = arith.addi %scan3A_110, %scan3A_139 : i32
        %mul3A_141 = arith.constant 16 : i32
        %mul3A_142 = arith.muli %scan3A_140, %mul3A_141 : i32
        %add3A_143 = arith.constant 4096 : i32
        %add3A_144 = arith.addi %add3A_143, %mul3A_142 : i32
        %get3A_145 = arith.index_cast %add3A_144 : i32 to index
        %get3A_146 = tpu.vector_load %arg7[%get3A_145] {strides = array<i32>} : memref<16384xi32, #tpu.memory_space<vmem>>, vector<16xi32>,
        %gather3A_147 = tpu.vector_load_idx %arg8[%get3A_146] : memref<100000xf32, #tpu.memory_space<vmem>>[vector<16xi32>], vector<16xf32>,
        %mul3A_148 = arith.constant 16 : i32
        %mul3A_149 = arith.muli %scan3A_140, %mul3A_148 : i32
        %get3A_150 = arith.index_cast %mul3A_149 : i32 to index
        %get3A_151 = tpu.vector_load %arg10[%get3A_150] {strides = array<i32>} : memref<4096xf32, #tpu.memory_space<vmem>>, vector<16xf32>,
        %sub3A_152 = arith.subf %get3A_151, %gather3A_147 : vector<16xf32>
        %mul3A_153 = arith.mulf %sub3A_152, %sub3A_152 : vector<16xf32>
        %add3A_154 = arith.addf %add3A_138, %mul3A_153 : vector<16xf32>
        %scan3A_155 = arith.constant 3 : i32
        %scan3A_156 = arith.addi %scan3A_110, %scan3A_155 : i32
        %mul3A_157 = arith.constant 16 : i32
        %mul3A_158 = arith.muli %scan3A_156, %mul3A_157 : i32
        %add3A_159 = arith.constant 4096 : i32
        %add3A_160 = arith.addi %add3A_159, %mul3A_158 : i32
        %get3A_161 = arith.index_cast %add3A_160 : i32 to index
        %get3A_162 = tpu.vector_load %arg7[%get3A_161] {strides = array<i32>} : memref<16384xi32, #tpu.memory_space<vmem>>, vector<16xi32>,
        %gather3A_163 = tpu.vector_load_idx %arg8[%get3A_162] : memref<100000xf32, #tpu.memory_space<vmem>>[vector<16xi32>], vector<16xf32>,
        %mul3A_164 = arith.constant 16 : i32
        %mul3A_165 = arith.muli %scan3A_156, %mul3A_164 : i32
        %get3A_166 = arith.index_cast %mul3A_165 : i32 to index
        %get3A_167 = tpu.vector_load %arg10[%get3A_166] {strides = array<i32>} : memref<4096xf32, #tpu.memory_space<vmem>>, vector<16xf32>,
        %sub3A_168 = arith.subf %get3A_167, %gather3A_163 : vector<16xf32>
        %mul3A_169 = arith.mulf %sub3A_168, %sub3A_168 : vector<16xf32>
        %add3A_170 = arith.addf %add3A_154, %mul3A_169 : vector<16xf32>
        %scan3A_171 = arith.constant 4 : i32
        %scan3A_172 = arith.addi %scan3A_110, %scan3A_171 : i32
        %mul3A_173 = arith.constant 16 : i32
        %mul3A_174 = arith.muli %scan3A_172, %mul3A_173 : i32
        %add3A_175 = arith.constant 4096 : i32
        %add3A_176 = arith.addi %add3A_175, %mul3A_174 : i32
        %get3A_177 = arith.index_cast %add3A_176 : i32 to index
        %get3A_178 = tpu.vector_load %arg7[%get3A_177] {strides = array<i32>} : memref<16384xi32, #tpu.memory_space<vmem>>, vector<16xi32>,
        %gather3A_179 = tpu.vector_load_idx %arg8[%get3A_178] : memref<100000xf32, #tpu.memory_space<vmem>>[vector<16xi32>], vector<16xf32>,
        %mul3A_180 = arith.constant 16 : i32
        %mul3A_181 = arith.muli %scan3A_172, %mul3A_180 : i32
        %get3A_182 = arith.index_cast %mul3A_181 : i32 to index
        %get3A_183 = tpu.vector_load %arg10[%get3A_182] {strides = array<i32>} : memref<4096xf32, #tpu.memory_space<vmem>>, vector<16xf32>,
        %sub3A_184 = arith.subf %get3A_183, %gather3A_179 : vector<16xf32>
        %mul3A_185 = arith.mulf %sub3A_184, %sub3A_184 : vector<16xf32>
        %add3A_186 = arith.addf %add3A_170, %mul3A_185 : vector<16xf32>
        %scan3A_187 = arith.constant 5 : i32
        %scan3A_188 = arith.addi %scan3A_110, %scan3A_187 : i32
        %mul3A_189 = arith.constant 16 : i32
        %mul3A_190 = arith.muli %scan3A_188, %mul3A_189 : i32
        %add3A_191 = arith.constant 4096 : i32
        %add3A_192 = arith.addi %add3A_191, %mul3A_190 : i32
        %get3A_193 = arith.index_cast %add3A_192 : i32 to index
        %get3A_194 = tpu.vector_load %arg7[%get3A_193] {strides = array<i32>} : memref<16384xi32, #tpu.memory_space<vmem>>, vector<16xi32>,
        %gather3A_195 = tpu.vector_load_idx %arg8[%get3A_194] : memref<100000xf32, #tpu.memory_space<vmem>>[vector<16xi32>], vector<16xf32>,
        %mul3A_196 = arith.constant 16 : i32
        %mul3A_197 = arith.muli %scan3A_188, %mul3A_196 : i32
        %get3A_198 = arith.index_cast %mul3A_197 : i32 to index
        %get3A_199 = tpu.vector_load %arg10[%get3A_198] {strides = array<i32>} : memref<4096xf32, #tpu.memory_space<vmem>>, vector<16xf32>,
        %sub3A_200 = arith.subf %get3A_199, %gather3A_195 : vector<16xf32>
        %mul3A_201 = arith.mulf %sub3A_200, %sub3A_200 : vector<16xf32>
        %add3A_202 = arith.addf %add3A_186, %mul3A_201 : vector<16xf32>
        %scan3A_203 = arith.constant 6 : i32
        %scan3A_204 = arith.addi %scan3A_110, %scan3A_203 : i32
        %mul3A_205 = arith.constant 16 : i32
        %mul3A_206 = arith.muli %scan3A_204, %mul3A_205 : i32
        %add3A_207 = arith.constant 4096 : i32
        %add3A_208 = arith.addi %add3A_207, %mul3A_206 : i32
        %get3A_209 = arith.index_cast %add3A_208 : i32 to index
        %get3A_210 = tpu.vector_load %arg7[%get3A_209] {strides = array<i32>} : memref<16384xi32, #tpu.memory_space<vmem>>, vector<16xi32>,
        %gather3A_211 = tpu.vector_load_idx %arg8[%get3A_210] : memref<100000xf32, #tpu.memory_space<vmem>>[vector<16xi32>], vector<16xf32>,
        %mul3A_212 = arith.constant 16 : i32
        %mul3A_213 = arith.muli %scan3A_204, %mul3A_212 : i32
        %get3A_214 = arith.index_cast %mul3A_213 : i32 to index
        %get3A_215 = tpu.vector_load %arg10[%get3A_214] {strides = array<i32>} : memref<4096xf32, #tpu.memory_space<vmem>>, vector<16xf32>,
        %sub3A_216 = arith.subf %get3A_215, %gather3A_211 : vector<16xf32>
        %mul3A_217 = arith.mulf %sub3A_216, %sub3A_216 : vector<16xf32>
        %add3A_218 = arith.addf %add3A_202, %mul3A_217 : vector<16xf32>
        %scan3A_219 = arith.constant 7 : i32
        %scan3A_220 = arith.addi %scan3A_110, %scan3A_219 : i32
        %mul3A_221 = arith.constant 16 : i32
        %mul3A_222 = arith.muli %scan3A_220, %mul3A_221 : i32
        %add3A_223 = arith.constant 4096 : i32
        %add3A_224 = arith.addi %add3A_223, %mul3A_222 : i32
        %get3A_225 = arith.index_cast %add3A_224 : i32 to index
        %get3A_226 = tpu.vector_load %arg7[%get3A_225] {strides = array<i32>} : memref<16384xi32, #tpu.memory_space<vmem>>, vector<16xi32>,
        %gather3A_227 = tpu.vector_load_idx %arg8[%get3A_226] : memref<100000xf32, #tpu.memory_space<vmem>>[vector<16xi32>], vector<16xf32>,
        %mul3A_228 = arith.constant 16 : i32
        %mul3A_229 = arith.muli %scan3A_220, %mul3A_228 : i32
        %get3A_230 = arith.index_cast %mul3A_229 : i32 to index
        %get3A_231 = tpu.vector_load %arg10[%get3A_230] {strides = array<i32>} : memref<4096xf32, #tpu.memory_space<vmem>>, vector<16xf32>,
        %sub3A_232 = arith.subf %get3A_231, %gather3A_227 : vector<16xf32>
        %mul3A_233 = arith.mulf %sub3A_232, %sub3A_232 : vector<16xf32>
        %add3A_234 = arith.addf %add3A_218, %mul3A_233 : vector<16xf32>
        scf.yield %add3A_234 : vector<16xf32>
      }
      %scan3A_73 = arith.constant 256 : i32
      %dma_start3A_74 = arith.constant 12288 : i32
      %dma_start3A_75 = tpu.memref_slice %arg2[%add3A_26, %dma_start3A_74] : memref<64x16384xf32, #tpu.memory_space<hbm>> -> memref<1x4096xf32, #tpu.memory_space<hbm>>
      %dma_start3A_76 = tpu.memref_squeeze %dma_start3A_75 : memref<1x4096xf32, #tpu.memory_space<hbm>> -> memref<4096xf32, #tpu.memory_space<hbm>>
      %dma_start3A_77 = arith.constant 12288 : i32
      %dma_start3A_78 = tpu.memref_slice %arg2[%add3A_26, %dma_start3A_77] : memref<64x16384xf32, #tpu.memory_space<hbm>> -> memref<1x4096xf32, #tpu.memory_space<hbm>>
      %dma_start3A_79 = tpu.memref_squeeze %dma_start3A_78 : memref<1x4096xf32, #tpu.memory_space<hbm>> -> memref<4096xf32, #tpu.memory_space<hbm>>
      tpu.enqueue_dma source(%dma_start3A_79 : memref<4096xf32, #tpu.memory_space<hbm>>) target(%arg10 : memref<4096xf32, #tpu.memory_space<vmem>>) target_semaphore(%arg14 : memref<!tpu.dma_semaphore, #tpu.memory_space<semaphore_mem>>)
      %dma_wait3A_80 = arith.constant 8192 : i32
      %dma_wait3A_81 = tpu.memref_slice %arg2[%add3A_26, %dma_wait3A_80] : memref<64x16384xf32, #tpu.memory_space<hbm>> -> memref<1x4096xf32, #tpu.memory_space<hbm>>
      %dma_wait3A_82 = tpu.memref_squeeze %dma_wait3A_81 : memref<1x4096xf32, #tpu.memory_space<hbm>> -> memref<4096xf32, #tpu.memory_space<hbm>>
      %dma_wait3A_83 = arith.constant 8192 : i32
      %dma_wait3A_84 = tpu.memref_slice %arg2[%add3A_26, %dma_wait3A_83] : memref<64x16384xf32, #tpu.memory_space<hbm>> -> memref<1x4096xf32, #tpu.memory_space<hbm>>
      %dma_wait3A_85 = tpu.memref_squeeze %dma_wait3A_84 : memref<1x4096xf32, #tpu.memory_space<hbm>> -> memref<4096xf32, #tpu.memory_space<hbm>>
      tpu.wait_dma2 semaphore(%arg13 : memref<!tpu.dma_semaphore, #tpu.memory_space<semaphore_mem>>) src(%dma_wait3A_85 : memref<4096xf32, #tpu.memory_space<hbm>>) dst(%arg9 : memref<4096xf32, #tpu.memory_space<vmem>>)
      %scan3A_86 = arith.constant 0 : i32
      %scan3A_87 = arith.constant 256 : i32
      %scan3A_88 = arith.addi %scan3A_86, %scan3A_87 : i32
      %scan3A_89 = arith.constant 8 : i32
      %scan3A_90 = scf.for %scan3A_110 = %scan3A_86 to %scan3A_88 step %scan3A_89 iter_args(%scan3A_111 = %scan3A_72) -> (vector<16xf32>)  : i32 {
        %mul3A_112 = arith.constant 16 : i32
        %mul3A_113 = arith.muli %scan3A_110, %mul3A_112 : i32
        %add3A_114 = arith.constant 8192 : i32
        %add3A_115 = arith.addi %add3A_114, %mul3A_113 : i32
        %get3A = arith.index_cast %add3A_115 : i32 to index
        %get3A_116 = tpu.vector_load %arg7[%get3A] {strides = array<i32>} : memref<16384xi32, #tpu.memory_space<vmem>>, vector<16xi32>,
        %gather3A = tpu.vector_load_idx %arg8[%get3A_116] : memref<100000xf32, #tpu.memory_space<vmem>>[vector<16xi32>], vector<16xf32>,
        %mul3A_117 = arith.constant 16 : i32
        %mul3A_118 = arith.muli %scan3A_110, %mul3A_117 : i32
        %get3A_119 = arith.index_cast %mul3A_118 : i32 to index
        %get3A_120 = tpu.vector_load %arg9[%get3A_119] {strides = array<i32>} : memref<4096xf32, #tpu.memory_space<vmem>>, vector<16xf32>,
        %sub3A = arith.subf %get3A_120, %gather3A : vector<16xf32>
        %mul3A_121 = arith.mulf %sub3A, %sub3A : vector<16xf32>
        %add3A_122 = arith.addf %scan3A_111, %mul3A_121 : vector<16xf32>
        %scan3A_123 = arith.constant 1 : i32
        %scan3A_124 = arith.addi %scan3A_110, %scan3A_123 : i32
        %mul3A_125 = arith.constant 16 : i32
        %mul3A_126 = arith.muli %scan3A_124, %mul3A_125 : i32
        %add3A_127 = arith.constant 8192 : i32
        %add3A_128 = arith.addi %add3A_127, %mul3A_126 : i32
        %get3A_129 = arith.index_cast %add3A_128 : i32 to index
        %get3A_130 = tpu.vector_load %arg7[%get3A_129] {strides = array<i32>} : memref<16384xi32, #tpu.memory_space<vmem>>, vector<16xi32>,
        %gather3A_131 = tpu.vector_load_idx %arg8[%get3A_130] : memref<100000xf32, #tpu.memory_space<vmem>>[vector<16xi32>], vector<16xf32>,
        %mul3A_132 = arith.constant 16 : i32
        %mul3A_133 = arith.muli %scan3A_124, %mul3A_132 : i32
        %get3A_134 = arith.index_cast %mul3A_133 : i32 to index
        %get3A_135 = tpu.vector_load %arg9[%get3A_134] {strides = array<i32>} : memref<4096xf32, #tpu.memory_space<vmem>>, vector<16xf32>,
        %sub3A_136 = arith.subf %get3A_135, %gather3A_131 : vector<16xf32>
        %mul3A_137 = arith.mulf %sub3A_136, %sub3A_136 : vector<16xf32>
        %add3A_138 = arith.addf %add3A_122, %mul3A_137 : vector<16xf32>
        %scan3A_139 = arith.constant 2 : i32
        %scan3A_140 = arith.addi %scan3A_110, %scan3A_139 : i32
        %mul3A_141 = arith.constant 16 : i32
        %mul3A_142 = arith.muli %scan3A_140, %mul3A_141 : i32
        %add3A_143 = arith.constant 8192 : i32
        %add3A_144 = arith.addi %add3A_143, %mul3A_142 : i32
        %get3A_145 = arith.index_cast %add3A_144 : i32 to index
        %get3A_146 = tpu.vector_load %arg7[%get3A_145] {strides = array<i32>} : memref<16384xi32, #tpu.memory_space<vmem>>, vector<16xi32>,
        %gather3A_147 = tpu.vector_load_idx %arg8[%get3A_146] : memref<100000xf32, #tpu.memory_space<vmem>>[vector<16xi32>], vector<16xf32>,
        %mul3A_148 = arith.constant 16 : i32
        %mul3A_149 = arith.muli %scan3A_140, %mul3A_148 : i32
        %get3A_150 = arith.index_cast %mul3A_149 : i32 to index
        %get3A_151 = tpu.vector_load %arg9[%get3A_150] {strides = array<i32>} : memref<4096xf32, #tpu.memory_space<vmem>>, vector<16xf32>,
        %sub3A_152 = arith.subf %get3A_151, %gather3A_147 : vector<16xf32>
        %mul3A_153 = arith.mulf %sub3A_152, %sub3A_152 : vector<16xf32>
        %add3A_154 = arith.addf %add3A_138, %mul3A_153 : vector<16xf32>
        %scan3A_155 = arith.constant 3 : i32
        %scan3A_156 = arith.addi %scan3A_110, %scan3A_155 : i32
        %mul3A_157 = arith.constant 16 : i32
        %mul3A_158 = arith.muli %scan3A_156, %mul3A_157 : i32
        %add3A_159 = arith.constant 8192 : i32
        %add3A_160 = arith.addi %add3A_159, %mul3A_158 : i32
        %get3A_161 = arith.index_cast %add3A_160 : i32 to index
        %get3A_162 = tpu.vector_load %arg7[%get3A_161] {strides = array<i32>} : memref<16384xi32, #tpu.memory_space<vmem>>, vector<16xi32>,
        %gather3A_163 = tpu.vector_load_idx %arg8[%get3A_162] : memref<100000xf32, #tpu.memory_space<vmem>>[vector<16xi32>], vector<16xf32>,
        %mul3A_164 = arith.constant 16 : i32
        %mul3A_165 = arith.muli %scan3A_156, %mul3A_164 : i32
        %get3A_166 = arith.index_cast %mul3A_165 : i32 to index
        %get3A_167 = tpu.vector_load %arg9[%get3A_166] {strides = array<i32>} : memref<4096xf32, #tpu.memory_space<vmem>>, vector<16xf32>,
        %sub3A_168 = arith.subf %get3A_167, %gather3A_163 : vector<16xf32>
        %mul3A_169 = arith.mulf %sub3A_168, %sub3A_168 : vector<16xf32>
        %add3A_170 = arith.addf %add3A_154, %mul3A_169 : vector<16xf32>
        %scan3A_171 = arith.constant 4 : i32
        %scan3A_172 = arith.addi %scan3A_110, %scan3A_171 : i32
        %mul3A_173 = arith.constant 16 : i32
        %mul3A_174 = arith.muli %scan3A_172, %mul3A_173 : i32
        %add3A_175 = arith.constant 8192 : i32
        %add3A_176 = arith.addi %add3A_175, %mul3A_174 : i32
        %get3A_177 = arith.index_cast %add3A_176 : i32 to index
        %get3A_178 = tpu.vector_load %arg7[%get3A_177] {strides = array<i32>} : memref<16384xi32, #tpu.memory_space<vmem>>, vector<16xi32>,
        %gather3A_179 = tpu.vector_load_idx %arg8[%get3A_178] : memref<100000xf32, #tpu.memory_space<vmem>>[vector<16xi32>], vector<16xf32>,
        %mul3A_180 = arith.constant 16 : i32
        %mul3A_181 = arith.muli %scan3A_172, %mul3A_180 : i32
        %get3A_182 = arith.index_cast %mul3A_181 : i32 to index
        %get3A_183 = tpu.vector_load %arg9[%get3A_182] {strides = array<i32>} : memref<4096xf32, #tpu.memory_space<vmem>>, vector<16xf32>,
        %sub3A_184 = arith.subf %get3A_183, %gather3A_179 : vector<16xf32>
        %mul3A_185 = arith.mulf %sub3A_184, %sub3A_184 : vector<16xf32>
        %add3A_186 = arith.addf %add3A_170, %mul3A_185 : vector<16xf32>
        %scan3A_187 = arith.constant 5 : i32
        %scan3A_188 = arith.addi %scan3A_110, %scan3A_187 : i32
        %mul3A_189 = arith.constant 16 : i32
        %mul3A_190 = arith.muli %scan3A_188, %mul3A_189 : i32
        %add3A_191 = arith.constant 8192 : i32
        %add3A_192 = arith.addi %add3A_191, %mul3A_190 : i32
        %get3A_193 = arith.index_cast %add3A_192 : i32 to index
        %get3A_194 = tpu.vector_load %arg7[%get3A_193] {strides = array<i32>} : memref<16384xi32, #tpu.memory_space<vmem>>, vector<16xi32>,
        %gather3A_195 = tpu.vector_load_idx %arg8[%get3A_194] : memref<100000xf32, #tpu.memory_space<vmem>>[vector<16xi32>], vector<16xf32>,
        %mul3A_196 = arith.constant 16 : i32
        %mul3A_197 = arith.muli %scan3A_188, %mul3A_196 : i32
        %get3A_198 = arith.index_cast %mul3A_197 : i32 to index
        %get3A_199 = tpu.vector_load %arg9[%get3A_198] {strides = array<i32>} : memref<4096xf32, #tpu.memory_space<vmem>>, vector<16xf32>,
        %sub3A_200 = arith.subf %get3A_199, %gather3A_195 : vector<16xf32>
        %mul3A_201 = arith.mulf %sub3A_200, %sub3A_200 : vector<16xf32>
        %add3A_202 = arith.addf %add3A_186, %mul3A_201 : vector<16xf32>
        %scan3A_203 = arith.constant 6 : i32
        %scan3A_204 = arith.addi %scan3A_110, %scan3A_203 : i32
        %mul3A_205 = arith.constant 16 : i32
        %mul3A_206 = arith.muli %scan3A_204, %mul3A_205 : i32
        %add3A_207 = arith.constant 8192 : i32
        %add3A_208 = arith.addi %add3A_207, %mul3A_206 : i32
        %get3A_209 = arith.index_cast %add3A_208 : i32 to index
        %get3A_210 = tpu.vector_load %arg7[%get3A_209] {strides = array<i32>} : memref<16384xi32, #tpu.memory_space<vmem>>, vector<16xi32>,
        %gather3A_211 = tpu.vector_load_idx %arg8[%get3A_210] : memref<100000xf32, #tpu.memory_space<vmem>>[vector<16xi32>], vector<16xf32>,
        %mul3A_212 = arith.constant 16 : i32
        %mul3A_213 = arith.muli %scan3A_204, %mul3A_212 : i32
        %get3A_214 = arith.index_cast %mul3A_213 : i32 to index
        %get3A_215 = tpu.vector_load %arg9[%get3A_214] {strides = array<i32>} : memref<4096xf32, #tpu.memory_space<vmem>>, vector<16xf32>,
        %sub3A_216 = arith.subf %get3A_215, %gather3A_211 : vector<16xf32>
        %mul3A_217 = arith.mulf %sub3A_216, %sub3A_216 : vector<16xf32>
        %add3A_218 = arith.addf %add3A_202, %mul3A_217 : vector<16xf32>
        %scan3A_219 = arith.constant 7 : i32
        %scan3A_220 = arith.addi %scan3A_110, %scan3A_219 : i32
        %mul3A_221 = arith.constant 16 : i32
        %mul3A_222 = arith.muli %scan3A_220, %mul3A_221 : i32
        %add3A_223 = arith.constant 8192 : i32
        %add3A_224 = arith.addi %add3A_223, %mul3A_222 : i32
        %get3A_225 = arith.index_cast %add3A_224 : i32 to index
        %get3A_226 = tpu.vector_load %arg7[%get3A_225] {strides = array<i32>} : memref<16384xi32, #tpu.memory_space<vmem>>, vector<16xi32>,
        %gather3A_227 = tpu.vector_load_idx %arg8[%get3A_226] : memref<100000xf32, #tpu.memory_space<vmem>>[vector<16xi32>], vector<16xf32>,
        %mul3A_228 = arith.constant 16 : i32
        %mul3A_229 = arith.muli %scan3A_220, %mul3A_228 : i32
        %get3A_230 = arith.index_cast %mul3A_229 : i32 to index
        %get3A_231 = tpu.vector_load %arg9[%get3A_230] {strides = array<i32>} : memref<4096xf32, #tpu.memory_space<vmem>>, vector<16xf32>,
        %sub3A_232 = arith.subf %get3A_231, %gather3A_227 : vector<16xf32>
        %mul3A_233 = arith.mulf %sub3A_232, %sub3A_232 : vector<16xf32>
        %add3A_234 = arith.addf %add3A_218, %mul3A_233 : vector<16xf32>
        scf.yield %add3A_234 : vector<16xf32>
      }
      %scan3A_91 = arith.constant 256 : i32
      %dma_wait3A_92 = arith.constant 12288 : i32
      %dma_wait3A_93 = tpu.memref_slice %arg2[%add3A_26, %dma_wait3A_92] : memref<64x16384xf32, #tpu.memory_space<hbm>> -> memref<1x4096xf32, #tpu.memory_space<hbm>>
      %dma_wait3A_94 = tpu.memref_squeeze %dma_wait3A_93 : memref<1x4096xf32, #tpu.memory_space<hbm>> -> memref<4096xf32, #tpu.memory_space<hbm>>
      %dma_wait3A_95 = arith.constant 12288 : i32
      %dma_wait3A_96 = tpu.memref_slice %arg2[%add3A_26, %dma_wait3A_95] : memref<64x16384xf32, #tpu.memory_space<hbm>> -> memref<1x4096xf32, #tpu.memory_space<hbm>>
      %dma_wait3A_97 = tpu.memref_squeeze %dma_wait3A_96 : memref<1x4096xf32, #tpu.memory_space<hbm>> -> memref<4096xf32, #tpu.memory_space<hbm>>
      tpu.wait_dma2 semaphore(%arg14 : memref<!tpu.dma_semaphore, #tpu.memory_space<semaphore_mem>>) src(%dma_wait3A_97 : memref<4096xf32, #tpu.memory_space<hbm>>) dst(%arg10 : memref<4096xf32, #tpu.memory_space<vmem>>)
      %scan3A_98 = arith.constant 0 : i32
      %scan3A_99 = arith.constant 256 : i32
      %scan3A_100 = arith.addi %scan3A_98, %scan3A_99 : i32
      %scan3A_101 = arith.constant 8 : i32
      %scan3A_102 = scf.for %scan3A_110 = %scan3A_98 to %scan3A_100 step %scan3A_101 iter_args(%scan3A_111 = %scan3A_90) -> (vector<16xf32>)  : i32 {
        %mul3A_112 = arith.constant 16 : i32
        %mul3A_113 = arith.muli %scan3A_110, %mul3A_112 : i32
        %add3A_114 = arith.constant 12288 : i32
        %add3A_115 = arith.addi %add3A_114, %mul3A_113 : i32
        %get3A = arith.index_cast %add3A_115 : i32 to index
        %get3A_116 = tpu.vector_load %arg7[%get3A] {strides = array<i32>} : memref<16384xi32, #tpu.memory_space<vmem>>, vector<16xi32>,
        %gather3A = tpu.vector_load_idx %arg8[%get3A_116] : memref<100000xf32, #tpu.memory_space<vmem>>[vector<16xi32>], vector<16xf32>,
        %mul3A_117 = arith.constant 16 : i32
        %mul3A_118 = arith.muli %scan3A_110, %mul3A_117 : i32
        %get3A_119 = arith.index_cast %mul3A_118 : i32 to index
        %get3A_120 = tpu.vector_load %arg10[%get3A_119] {strides = array<i32>} : memref<4096xf32, #tpu.memory_space<vmem>>, vector<16xf32>,
        %sub3A = arith.subf %get3A_120, %gather3A : vector<16xf32>
        %mul3A_121 = arith.mulf %sub3A, %sub3A : vector<16xf32>
        %add3A_122 = arith.addf %scan3A_111, %mul3A_121 : vector<16xf32>
        %scan3A_123 = arith.constant 1 : i32
        %scan3A_124 = arith.addi %scan3A_110, %scan3A_123 : i32
        %mul3A_125 = arith.constant 16 : i32
        %mul3A_126 = arith.muli %scan3A_124, %mul3A_125 : i32
        %add3A_127 = arith.constant 12288 : i32
        %add3A_128 = arith.addi %add3A_127, %mul3A_126 : i32
        %get3A_129 = arith.index_cast %add3A_128 : i32 to index
        %get3A_130 = tpu.vector_load %arg7[%get3A_129] {strides = array<i32>} : memref<16384xi32, #tpu.memory_space<vmem>>, vector<16xi32>,
        %gather3A_131 = tpu.vector_load_idx %arg8[%get3A_130] : memref<100000xf32, #tpu.memory_space<vmem>>[vector<16xi32>], vector<16xf32>,
        %mul3A_132 = arith.constant 16 : i32
        %mul3A_133 = arith.muli %scan3A_124, %mul3A_132 : i32
        %get3A_134 = arith.index_cast %mul3A_133 : i32 to index
        %get3A_135 = tpu.vector_load %arg10[%get3A_134] {strides = array<i32>} : memref<4096xf32, #tpu.memory_space<vmem>>, vector<16xf32>,
        %sub3A_136 = arith.subf %get3A_135, %gather3A_131 : vector<16xf32>
        %mul3A_137 = arith.mulf %sub3A_136, %sub3A_136 : vector<16xf32>
        %add3A_138 = arith.addf %add3A_122, %mul3A_137 : vector<16xf32>
        %scan3A_139 = arith.constant 2 : i32
        %scan3A_140 = arith.addi %scan3A_110, %scan3A_139 : i32
        %mul3A_141 = arith.constant 16 : i32
        %mul3A_142 = arith.muli %scan3A_140, %mul3A_141 : i32
        %add3A_143 = arith.constant 12288 : i32
        %add3A_144 = arith.addi %add3A_143, %mul3A_142 : i32
        %get3A_145 = arith.index_cast %add3A_144 : i32 to index
        %get3A_146 = tpu.vector_load %arg7[%get3A_145] {strides = array<i32>} : memref<16384xi32, #tpu.memory_space<vmem>>, vector<16xi32>,
        %gather3A_147 = tpu.vector_load_idx %arg8[%get3A_146] : memref<100000xf32, #tpu.memory_space<vmem>>[vector<16xi32>], vector<16xf32>,
        %mul3A_148 = arith.constant 16 : i32
        %mul3A_149 = arith.muli %scan3A_140, %mul3A_148 : i32
        %get3A_150 = arith.index_cast %mul3A_149 : i32 to index
        %get3A_151 = tpu.vector_load %arg10[%get3A_150] {strides = array<i32>} : memref<4096xf32, #tpu.memory_space<vmem>>, vector<16xf32>,
        %sub3A_152 = arith.subf %get3A_151, %gather3A_147 : vector<16xf32>
        %mul3A_153 = arith.mulf %sub3A_152, %sub3A_152 : vector<16xf32>
        %add3A_154 = arith.addf %add3A_138, %mul3A_153 : vector<16xf32>
        %scan3A_155 = arith.constant 3 : i32
        %scan3A_156 = arith.addi %scan3A_110, %scan3A_155 : i32
        %mul3A_157 = arith.constant 16 : i32
        %mul3A_158 = arith.muli %scan3A_156, %mul3A_157 : i32
        %add3A_159 = arith.constant 12288 : i32
        %add3A_160 = arith.addi %add3A_159, %mul3A_158 : i32
        %get3A_161 = arith.index_cast %add3A_160 : i32 to index
        %get3A_162 = tpu.vector_load %arg7[%get3A_161] {strides = array<i32>} : memref<16384xi32, #tpu.memory_space<vmem>>, vector<16xi32>,
        %gather3A_163 = tpu.vector_load_idx %arg8[%get3A_162] : memref<100000xf32, #tpu.memory_space<vmem>>[vector<16xi32>], vector<16xf32>,
        %mul3A_164 = arith.constant 16 : i32
        %mul3A_165 = arith.muli %scan3A_156, %mul3A_164 : i32
        %get3A_166 = arith.index_cast %mul3A_165 : i32 to index
        %get3A_167 = tpu.vector_load %arg10[%get3A_166] {strides = array<i32>} : memref<4096xf32, #tpu.memory_space<vmem>>, vector<16xf32>,
        %sub3A_168 = arith.subf %get3A_167, %gather3A_163 : vector<16xf32>
        %mul3A_169 = arith.mulf %sub3A_168, %sub3A_168 : vector<16xf32>
        %add3A_170 = arith.addf %add3A_154, %mul3A_169 : vector<16xf32>
        %scan3A_171 = arith.constant 4 : i32
        %scan3A_172 = arith.addi %scan3A_110, %scan3A_171 : i32
        %mul3A_173 = arith.constant 16 : i32
        %mul3A_174 = arith.muli %scan3A_172, %mul3A_173 : i32
        %add3A_175 = arith.constant 12288 : i32
        %add3A_176 = arith.addi %add3A_175, %mul3A_174 : i32
        %get3A_177 = arith.index_cast %add3A_176 : i32 to index
        %get3A_178 = tpu.vector_load %arg7[%get3A_177] {strides = array<i32>} : memref<16384xi32, #tpu.memory_space<vmem>>, vector<16xi32>,
        %gather3A_179 = tpu.vector_load_idx %arg8[%get3A_178] : memref<100000xf32, #tpu.memory_space<vmem>>[vector<16xi32>], vector<16xf32>,
        %mul3A_180 = arith.constant 16 : i32
        %mul3A_181 = arith.muli %scan3A_172, %mul3A_180 : i32
        %get3A_182 = arith.index_cast %mul3A_181 : i32 to index
        %get3A_183 = tpu.vector_load %arg10[%get3A_182] {strides = array<i32>} : memref<4096xf32, #tpu.memory_space<vmem>>, vector<16xf32>,
        %sub3A_184 = arith.subf %get3A_183, %gather3A_179 : vector<16xf32>
        %mul3A_185 = arith.mulf %sub3A_184, %sub3A_184 : vector<16xf32>
        %add3A_186 = arith.addf %add3A_170, %mul3A_185 : vector<16xf32>
        %scan3A_187 = arith.constant 5 : i32
        %scan3A_188 = arith.addi %scan3A_110, %scan3A_187 : i32
        %mul3A_189 = arith.constant 16 : i32
        %mul3A_190 = arith.muli %scan3A_188, %mul3A_189 : i32
        %add3A_191 = arith.constant 12288 : i32
        %add3A_192 = arith.addi %add3A_191, %mul3A_190 : i32
        %get3A_193 = arith.index_cast %add3A_192 : i32 to index
        %get3A_194 = tpu.vector_load %arg7[%get3A_193] {strides = array<i32>} : memref<16384xi32, #tpu.memory_space<vmem>>, vector<16xi32>,
        %gather3A_195 = tpu.vector_load_idx %arg8[%get3A_194] : memref<100000xf32, #tpu.memory_space<vmem>>[vector<16xi32>], vector<16xf32>,
        %mul3A_196 = arith.constant 16 : i32
        %mul3A_197 = arith.muli %scan3A_188, %mul3A_196 : i32
        %get3A_198 = arith.index_cast %mul3A_197 : i32 to index
        %get3A_199 = tpu.vector_load %arg10[%get3A_198] {strides = array<i32>} : memref<4096xf32, #tpu.memory_space<vmem>>, vector<16xf32>,
        %sub3A_200 = arith.subf %get3A_199, %gather3A_195 : vector<16xf32>
        %mul3A_201 = arith.mulf %sub3A_200, %sub3A_200 : vector<16xf32>
        %add3A_202 = arith.addf %add3A_186, %mul3A_201 : vector<16xf32>
        %scan3A_203 = arith.constant 6 : i32
        %scan3A_204 = arith.addi %scan3A_110, %scan3A_203 : i32
        %mul3A_205 = arith.constant 16 : i32
        %mul3A_206 = arith.muli %scan3A_204, %mul3A_205 : i32
        %add3A_207 = arith.constant 12288 : i32
        %add3A_208 = arith.addi %add3A_207, %mul3A_206 : i32
        %get3A_209 = arith.index_cast %add3A_208 : i32 to index
        %get3A_210 = tpu.vector_load %arg7[%get3A_209] {strides = array<i32>} : memref<16384xi32, #tpu.memory_space<vmem>>, vector<16xi32>,
        %gather3A_211 = tpu.vector_load_idx %arg8[%get3A_210] : memref<100000xf32, #tpu.memory_space<vmem>>[vector<16xi32>], vector<16xf32>,
        %mul3A_212 = arith.constant 16 : i32
        %mul3A_213 = arith.muli %scan3A_204, %mul3A_212 : i32
        %get3A_214 = arith.index_cast %mul3A_213 : i32 to index
        %get3A_215 = tpu.vector_load %arg10[%get3A_214] {strides = array<i32>} : memref<4096xf32, #tpu.memory_space<vmem>>, vector<16xf32>,
        %sub3A_216 = arith.subf %get3A_215, %gather3A_211 : vector<16xf32>
        %mul3A_217 = arith.mulf %sub3A_216, %sub3A_216 : vector<16xf32>
        %add3A_218 = arith.addf %add3A_202, %mul3A_217 : vector<16xf32>
        %scan3A_219 = arith.constant 7 : i32
        %scan3A_220 = arith.addi %scan3A_110, %scan3A_219 : i32
        %mul3A_221 = arith.constant 16 : i32
        %mul3A_222 = arith.muli %scan3A_220, %mul3A_221 : i32
        %add3A_223 = arith.constant 12288 : i32
        %add3A_224 = arith.addi %add3A_223, %mul3A_222 : i32
        %get3A_225 = arith.index_cast %add3A_224 : i32 to index
        %get3A_226 = tpu.vector_load %arg7[%get3A_225] {strides = array<i32>} : memref<16384xi32, #tpu.memory_space<vmem>>, vector<16xi32>,
        %gather3A_227 = tpu.vector_load_idx %arg8[%get3A_226] : memref<100000xf32, #tpu.memory_space<vmem>>[vector<16xi32>], vector<16xf32>,
        %mul3A_228 = arith.constant 16 : i32
        %mul3A_229 = arith.muli %scan3A_220, %mul3A_228 : i32
        %get3A_230 = arith.index_cast %mul3A_229 : i32 to index
        %get3A_231 = tpu.vector_load %arg10[%get3A_230] {strides = array<i32>} : memref<4096xf32, #tpu.memory_space<vmem>>, vector<16xf32>,
        %sub3A_232 = arith.subf %get3A_231, %gather3A_227 : vector<16xf32>
        %mul3A_233 = arith.mulf %sub3A_232, %sub3A_232 : vector<16xf32>
        %add3A_234 = arith.addf %add3A_218, %mul3A_233 : vector<16xf32>
        scf.yield %add3A_234 : vector<16xf32>
      }
      %scan3A_103 = arith.constant 256 : i32
      %add3A_104 = arith.constant 1 : i32
      %add3A_105 = arith.addi %scan3A_22, %add3A_104 : i32
      %lt3A = arith.constant 2 : i32
      %lt3A_106 = arith.cmpi slt, %add3A_105, %lt3A : i32
      %convert_element_type3A_107 = arith.extui %lt3A_106 : i1 to i32
      %cond3A_108 = arith.constant 0 : i32
      %cond3A_109 = arith.cmpi ne, %convert_element_type3A_107, %cond3A_108 : i32
      scf.if %cond3A_109 {
        %add3A_110 = arith.constant 1 : i32
        %add3A_111 = arith.addi %add3A_26, %add3A_110 : i32
        %dma_start3A_112 = arith.constant 0 : i32
        %dma_start3A_113 = tpu.memref_slice %arg4[%add3A_111, %dma_start3A_112] : memref<64x100000xf32, #tpu.memory_space<hbm>> -> memref<1x100000xf32, #tpu.memory_space<hbm>>
        %dma_start3A_114 = tpu.memref_squeeze %dma_start3A_113 : memref<1x100000xf32, #tpu.memory_space<hbm>> -> memref<100000xf32, #tpu.memory_space<hbm>>
        %dma_start3A_115 = arith.constant 0 : i32
        %dma_start3A_116 = tpu.memref_slice %arg4[%add3A_111, %dma_start3A_115] : memref<64x100000xf32, #tpu.memory_space<hbm>> -> memref<1x100000xf32, #tpu.memory_space<hbm>>
        %dma_start3A_117 = tpu.memref_squeeze %dma_start3A_116 : memref<1x100000xf32, #tpu.memory_space<hbm>> -> memref<100000xf32, #tpu.memory_space<hbm>>
        tpu.enqueue_dma source(%dma_start3A_117 : memref<100000xf32, #tpu.memory_space<hbm>>) target(%arg8 : memref<100000xf32, #tpu.memory_space<vmem>>) target_semaphore(%arg12 : memref<!tpu.dma_semaphore, #tpu.memory_space<semaphore_mem>>)
      } else {
      }
      scf.yield %scan3A_102 : vector<16xf32>
    }
    %scan3A_15 = arith.constant 2 : i32
    %mul3A_16 = arith.constant 3.05175781E-5 : f32
    %mul3A_17 = vector.broadcast %mul3A_16 : f32 to vector<16xf32>
    %mul3A_18 = arith.mulf %scan3A_14, %mul3A_17 : vector<16xf32>
    %swap3A = arith.constant 0 : index
    %swap3A_19 = tpu.vector_load %arg11[%swap3A] {strides = array<i32>} : memref<16xf32, #tpu.memory_space<vmem>>, vector<16xf32>,
    tpu.vector_store %arg11[%swap3A], %mul3A_18 {strides = array<i32>} : memref<16xf32, #tpu.memory_space<vmem>>, vector<16xf32>,
    %mul3A_20 = arith.constant 16 : i32
    %mul3A_21 = arith.muli %add3A, %mul3A_20 : i32
    "tpu.region"() ({
      %run_scoped3A = tpu.sem_alloc : memref<!tpu.dma_semaphore, #tpu.memory_space<semaphore_mem>>
      %dma_start3A_22 = tpu.memref_slice %arg5[%mul3A_21] : memref<512xf32, #tpu.memory_space<hbm>> -> memref<16xf32, #tpu.memory_space<hbm>>
      %dma_start3A_23 = tpu.memref_slice %arg5[%mul3A_21] : memref<512xf32, #tpu.memory_space<hbm>> -> memref<16xf32, #tpu.memory_space<hbm>>
      tpu.enqueue_dma source(%arg11 : memref<16xf32, #tpu.memory_space<vmem>>) target(%dma_start3A_23 : memref<16xf32, #tpu.memory_space<hbm>>) target_semaphore(%run_scoped3A : memref<!tpu.dma_semaphore, #tpu.memory_space<semaphore_mem>>)
      %dma_wait3A = tpu.memref_slice %arg5[%mul3A_21] : memref<512xf32, #tpu.memory_space<hbm>> -> memref<16xf32, #tpu.memory_space<hbm>>
      %dma_wait3A_24 = tpu.memref_slice %arg5[%mul3A_21] : memref<512xf32, #tpu.memory_space<hbm>> -> memref<16xf32, #tpu.memory_space<hbm>>
      tpu.wait_dma2 semaphore(%run_scoped3A : memref<!tpu.dma_semaphore, #tpu.memory_space<semaphore_mem>>) src(%arg11 : memref<16xf32, #tpu.memory_space<vmem>>) dst(%dma_wait3A_24 : memref<16xf32, #tpu.memory_space<hbm>>)
      tpu.yield
    }) : () -> ()
    return
  }
}

</mosaic_0001>

<sc_bundles>
// kernel: kernel.3.cloned.1.call-start
scs
__scs_entry_jumppad:
0x0: {  	(pc) =	sbr.rel $0x88, $3  }
0x1: {  	(tag) =	ssettag $0x0;
	lr =	simm.s32 $0x1  }
0x2: {  	[smem:$0x3F9E] =	sst lr;
	_ =	strace $0xD0000000  }
0x3: {  	_ = 	snop  }
0x4: {  	_ = 	snop  }
0x5: {  	_ = 	snop  }
0x6: {  	_ = 	snop  }
0x7: {  	_ = 	snop  }
__scs_overlays_trampoline_lowered:
0x8: {  	[smem:$0x3FAD] =	sst s0  }
0x9: {  	[smem:$0x3FAE] =	sst s1  }
0xa: {  	[smem:$0x3FAF] =	sst s2  }
0xb: {  	[smem:$0x3FB0] =	sst s3  }
0xc: {  	[smem:$0x3FB1] =	sst s4  }
0xd: {  	[smem:$0x3FB2] =	sst s5  }
0xe: {  	[smem:$0x3FB3] =	sst s6  }
0xf: {  	[smem:$0x3FB4] =	sst s7  }
0x10: {  	[smem:$0x3FB5] =	sst s8  }
0x11: {  	[smem:$0x3FB6] =	sst s9;
	s0 =	simm.s32 @!p0 $0x0  }
0x12: {  	s1 =	sld [smem:$0x3F9C];
	s0 =	simm.s32 @p0 $0x1  }
0x13: {  	[smem:$0x3FB7] =	sst s0;
	s0 =	simm.s32 @!p1 $0x0  }
0x14: {  	s2 =	sld [smem:$0x3F9B];
	s0 =	simm.s32 @p1 $0x1  }
0x15: {  	[smem:$0x3FB8] =	sst s0;
	s0 =	simm.s32 @!p2 $0x0  }
0x16: {  	s3 =	sld [smem:$0x3FDB];
	s0 =	simm.s32 @p2 $0x1  }
0x17: {  	s4 =	simm.s32 $0x1BF5;
	[smem:$0x3FBA] =	sst s0  }
0x18: {  	s0 =	sld [smem:$0x3F9D];
	_ =	swait.ge [sflag:s4], $0x0  }
0x19: {  	s7 =	sld [smem:$0x3F9E]  }
0x1a: {  	s8 =	sadd.s32 $0xFFFFE003, lr  }
0x1b: {  	s9 =	sadd.s32 $0xFFFFFEF7, lr;
	s5 =	simm.s32 $0xFFFFFFFF;
	p2 =	slt.u32 s8, $0xFFFFF086  }
0x1c: {  	p1 =	slt.u32 s9, $0xF7A;
	s5 =	simm.s32 @!p2 $0x0  }
0x1d: {  	s5 =	simm.s32 @p1 $0x1;
	p0 =	seq.s32 s7, s2  }
0x1e: {  	s7 =	smul.u32 @!p0 $0xF7A, s2;
	p2 =	seq.s32 @!p0 s5, $0x0  }
0x1f: {  	s9 =	smul.u32 $0xF7A, s1;
	s8 =	simm.s32 @!p0 $0x1BF5;
	p2 =	por !p2, p0  }
0x20: {  	[sflag:s8] =	ssyncset.s32 @!p0 $0xFFFFF086;
	s6 =	sadd.s32 @!p0 s3, s7;
	s7 =	simm.s32 @!p0 $0x108  }
0x21: {  	s3 =	sadd.s32 s3, s9;
	s6 =	sadd.s32 @!p0 $0x88, s6;
	s7 =	simm.s32 @p2 $0x1082  }
0x22: {  	[simem:s7], [sflag:s8] =	dma.local @!p0 [hbm:s6], $0xF7A  }
0x23: {  	s9 =	sor.u32 $0xD0000000, s2;
	s6 =	simm.s32 $0x108;
	_ =	swait.ge @!p0 [sflag:s8], $0x0  }
0x24: {  	s3 =	sadd.s32 $0x88, s3;
	s6 =	simm.s32 @!p1 $0x1082;
	[sflag:s4] =	ssyncset.s32 $0xFFFFF086  }
0x25: {  	[simem:s6], [sflag:s4] =	dma.local [hbm:s3], $0xF7A  }
0x26: {  	[smem:$0x3F9E] =	sst s1;
	(tag) =	ssettag s2;
	_ =	strace s9  }
0x27: {  	s1 =	sld [smem:$0x3FAE]  }
0x28: {  	s2 =	sld [smem:$0x3FAF]  }
0x29: {  	s4 =	sld [smem:$0x3FB1]  }
0x2a: {  	p0 =	seq.s32 s5, $0x0;
	s5 =	sld [smem:$0x3FB2]  }
0x2b: {  	s6 =	sld [smem:$0x3FB3]  }
0x2c: {  	s7 =	sld [smem:$0x3FB4]  }
0x2d: {  	s3 =	simm.s32 $0x108;
	s8 =	sld [smem:$0x3FB5]  }
0x2e: {  	s3 =	simm.s32 @!p0 $0x1082;
	s9 =	sld [smem:$0x3FB6]  }
0x2f: {  	lr =	sadd.s32 s0, s3;
	s0 =	sld [smem:$0x3FAD]  }
0x30: {  	s3 =	sld [smem:$0x3FB0]  }
0x31: {  	[smem:$0x3FB9] =	sst s10  }
0x32: {  	s10 =	sld [smem:$0x3FB7];
	_ =	sdelay $0x3  }
0x33: {  	p0 =	seq.s32 s10, $0x1;
	s10 =	sld [smem:$0x3FB9];
	_ =	sdelay $0x3  }
0x34: {  	[smem:$0x3FB9] =	sst s10  }
0x35: {  	s10 =	sld [smem:$0x3FB8];
	_ =	sdelay $0x3  }
0x36: {  	p1 =	seq.s32 s10, $0x1;
	s10 =	sld [smem:$0x3FB9];
	_ =	sdelay $0x3  }
0x37: {  	[smem:$0x3FB9] =	sst s10  }
0x38: {  	s10 =	sld [smem:$0x3FBA]  }
0x39: {  	_ = 	snop;
	(pc) =	sbr.ind lr, $3  }
0x3a: {  	_ = 	snop  }
0x3b: {  	_ = 	snop  }
0x3c: {  	p2 =	seq.s32 s10, $0x1;
	s10 =	sld [smem:$0x3FB9]  }
0x3d: {  	_ =	shalt  }
0x3e: {  	_ =	shalt  }
0x3f: {  	_ =	shalt  }
0x40: {  	_ =	shalt  }
0x41: {  	_ =	shalt  }
0x42: {  	_ =	shalt  }
0x43: {  	_ =	shalt  }
0x44: {  	_ =	shalt  }
0x45: {  	_ =	shalt  }
0x46: {  	_ =	shalt  }
0x47: {  	_ =	shalt  }
0x48: {  	_ =	shalt  }
0x49: {  	_ =	shalt  }
0x4a: {  	_ =	shalt  }
0x4b: {  	_ =	shalt  }
0x4c: {  	_ =	shalt  }
0x4d: {  	_ =	shalt  }
0x4e: {  	_ =	shalt  }
0x4f: {  	_ =	shalt  }
0x50: {  	_ =	shalt  }
0x51: {  	_ =	shalt  }
0x52: {  	_ =	shalt  }
0x53: {  	_ =	shalt  }
0x54: {  	_ =	shalt  }
0x55: {  	_ =	shalt  }
0x56: {  	_ =	shalt  }
0x57: {  	_ =	shalt  }
0x58: {  	_ =	shalt  }
0x59: {  	_ =	shalt  }
0x5a: {  	_ =	shalt  }
0x5b: {  	_ =	shalt  }
0x5c: {  	_ =	shalt  }
0x5d: {  	_ =	shalt  }
0x5e: {  	_ =	shalt  }
0x5f: {  	_ =	shalt  }
0x60: {  	_ =	shalt  }
0x61: {  	_ =	shalt  }
0x62: {  	_ =	shalt  }
0x63: {  	_ =	shalt  }
0x64: {  	_ =	shalt  }
0x65: {  	_ =	shalt  }
0x66: {  	_ =	shalt  }
0x67: {  	_ =	shalt  }
0x68: {  	_ =	shalt  }
0x69: {  	_ =	shalt  }
0x6a: {  	_ =	shalt  }
0x6b: {  	_ =	shalt  }
0x6c: {  	_ =	shalt  }
0x6d: {  	_ =	shalt  }
0x6e: {  	_ =	shalt  }
0x6f: {  	_ =	shalt  }
0x70: {  	_ =	shalt  }
0x71: {  	_ =	shalt  }
0x72: {  	_ =	shalt  }
0x73: {  	_ =	shalt  }
0x74: {  	_ =	shalt  }
0x75: {  	_ =	shalt  }
0x76: {  	_ =	shalt  }
0x77: {  	_ =	shalt  }
0x78: {  	_ =	shalt  }
0x79: {  	_ =	shalt  }
0x7a: {  	_ =	shalt  }
0x7b: {  	_ =	shalt  }
0x7c: {  	_ =	shalt  }
0x7d: {  	_ =	shalt  }
0x7e: {  	_ =	shalt  }
0x7f: {  	_ =	shalt  }
0x80: {  	_ =	shalt  }
0x81: {  	_ =	shalt  }
0x82: {  	_ =	shalt  }
0x83: {  	_ =	shalt  }
0x84: {  	_ =	shalt  }
0x85: {  	_ =	shalt  }
0x86: {  	_ =	shalt  }
0x87: {  	_ =	shalt  }
.Lfunc_end0:
.L_simem_size_0:
called_computation_lowered:
.L_overlay_start_0:
0x88: {  	s2 =	sld [smem:$0x3FD9]  }
0x89: {  	s3 =	sld [smem:$0x3FFE];
	_ =	sdelay $0x1  }
0x8a: {  	s1 =	srdreg.scid  }
0x8b: {  	s0 =	sand.u32 $0x1, s1  }
0x8c: {  	s17 =	sshll.u32 s0, $0xA;
	s2 =	sadd.s32 s3, s2  }
0x8d: {  	s2 =	sadd.s32 s2, s17  }
0x8e: {  	[smem:$0x3FC5] =	sst s2  }
0x8f: {  	_ = 	snop  }
0x90: {  	s2 =	sld [smem:$0x3FC9]  }
0x91: {  	s18 =	sld [smem:$0x3FC8]  }
0x92: {  	s4 =	sld [smem:$0x3FC7];
	(tm) =	ssettm $0x1  }
0x93: {  	s5 =	sld [smem:$0x3FFB];
	_ =	sdelay $0x3  }
0x94: {  	_ =	strace s5  }
0x95: {  	s5 =	sld [smem:$0x3FFC];
	_ =	sdelay $0x3  }
0x96: {  	_ =	strace s5  }
0x97: {  	s5 =	sld [smem:$0x3FFD];
	_ =	sdelay $0x3  }
0x98: {  	_ =	strace s5  }
0x99: {  	_ =	strace $0x8FFFFFFF  }
0x9a: {  	s19 =	sld [smem:$0x3FDB];
	_ =	sdelay $0x1  }
0x9b: {  	s6 =	simm.s32 $_scs_section_size  }
0x9c: {  	s7 =	simm.s32 $_size__tile_overlayer_lowered;
	s8 =	simm.s32 $_tile_overlayer_lowered  }
0x9d: {  	s22 =	simm.s32 $0x1BFF;
	s21 =	sshll.u32 s8, $0x1;
	s5 =	sadd.s32 s6, s19  }
0x9e: {  	s9 =	simm.s32 $0x0;
	s20 =	sshll.u32 s7, $0x1;
	s7 =	sadd.s32 s21, s5  }
0x9f: {  	[timem:s9], [sflag:s22] =	dma.local [hbm:s7], s20  }
0xa0: {  	_ =	swait.ge [sflag:s22], s20  }
0xa1: {  	s6 =	ssub.s32 $0x0, s20;
	[sflag:s22] =	ssyncset.done $0x0  }
0xa2: {  	[sflag:s22] =	ssyncadd.s32 s6;
	_ =	sdelay $0x1  }
0xa3: {  	s23 =	simm.s32 $0x1B8B  }
0xa4: {  	_ =	swait.ge [sflag:s23], $0x1  }
0xa5: {  	[sflag:s23] =	ssyncset.done $0x0  }
0xa6: {  	s25 =	simm.s32 $0x1B8E;
	s24 =	sld [smem:$0x3FFE];
	[sflag:s23] =	ssyncadd.s32 $0xFFFFFFFF  }
0xa7: {  	s26 =	simm.s32 $execute0_lowered;
	[smem:$0x3FD2] =	sst s25  }
0xa8: {  	s7 =	sshll.u32 s26, $0x1;
	_ =	strace $0x80000046;
	[dreg:$0x1] =	wrdreg $0xFFFFFFFF  }
0xa9: {  	s28 =	simm.s32 $_size_execute0_lowered;
	s5 =	sadd.s32 s5, s7;
	[dreg:$0x0] =	wrdreg $0x0  }
0xaa: {  	s7 =	sshll.u32 s28, $0x1;
	[dreg:$0x2] =	wrdreg s5  }
0xab: {  	[dreg:$0x3] =	wrdreg s7  }
0xac: {  	[dreg:$0x4] =	wrdreg $0xC0  }
0xad: {  	_ =	task [dreg:s9], $0x5FFFF  }
0xae: {  	[dreg:$0x1] =	wrdreg $0xFFFFFFFF  }
0xaf: {  	[dreg:$0x0] =	wrdreg $0x60  }
0xb0: {  	[dreg:$0x2] =	wrdreg s2  }
0xb1: {  	[dreg:$0x3] =	wrdreg s18  }
0xb2: {  	[dreg:$0x4] =	wrdreg s4  }
0xb3: {  	[dreg:$0x5] =	wrdreg s24  }
0xb4: {  	[dreg:$0x6] =	wrdreg $0x0  }
0xb5: {  	[dreg:$0x7] =	wrdreg $0x9  }
0xb6: {  	_ =	task.clear_ibuf [dreg:s9], $0x8FFFF;
	_ =	strace $0x90000046  }
0xb7: {  	s29 =	simm.s32 $0x9;
	_ =	strace $0x80000048  }
0xb8: {  	_ =	swait.ge [sflag:s29], $0x1  }
0xb9: {  	[sflag:s29] =	ssyncadd.s32 $0xFFFFFFFF  }
0xba: {  	_ =	strace $0x90000048  }
0xbb: {  	_ =	sfence  }
0xbc: {  	s30 =	sld [smem:$0x0];
	_ =	sdelay $0x2  }
0xbd: {  	s31 =	sshll.u32 s1, $0xD;
	s1 =	sshrl.u32 s1, $0x2  }
0xbe: {  	s3 =	sand.u32 $0x4000, s31;
	s1 =	sadd.s32 s1, s30  }
0xbf: {  	s0 =	sor.u32 s3, s0;
	s1 =	sshll.u32 s1, $0x11  }
0xc0: {  	s0 =	sor.u32 s1, s0  }
0xc1: {  	s0 =	sadd.s32 $0x8F2B, s0  }
0xc2: {  	[sflag:s0] =	ssyncadd.remote.s32 $0x1  }
0xc3: {  	_ =	sfence.sel $0xFFFF  }
0xc4: {  	[dreg:$0x0] =	wrdreg $0xFFFFFFFF;
	(pc) =	sbr.abs _section_cstart, $3  }
0xc5: {  	[dreg:$0x1] =	wrdreg $0xFFFFFFFF  }
0xc6: {  	_ =	task.clear_ibuf [dreg:s9], $0x2FFFF;
	_ =	strace $0x9FFFFFFF  }
0xc7: {  	(tm) =	ssettm $0x7FFFFFFF  }
tec
execute0_lowered:
.L_overlay_start_1:
0x0: {  	(tag) =	ssettag $0x1  }
0x1: {  	s0 =	rddreg [dreg:$0x0]  }
0x2: {  	s1 =	rddreg [dreg:$0x1]  }
0x3: {  	s6 =	rddreg [dreg:$0x2];
	s2 =	srdreg.scid  }
0x4: {  	s13 =	stileid.u32;
	s11 =	rddreg [dreg:$0x3]  }
0x5: {  	s3 =	rddreg [dreg:$0x4];
	s14 =	simm.s32 $0x400;
	s15 =	simm.s32 $0x4400  }
0x6: {  	s17 =	simm.s32 $0x4;
	s18 =	simm.s32 $0x1CB00;
	s19 =	simm.s32 $0x1  }
0x7: {  	s20 =	simm.s32 $0x1DB00;
	s21 =	simm.s32 $0x2;
	s22 =	simm.s32 $0x3  }
0x8: {  	s23 =	simm.s32 $0x1EB00;
	s24 =	simm.s32 $0x0;
	s5 =	sand.u32 $0x1, s2  }
0x9: {  	s31 =	sshll.u32 s13, $0x1;
	s4 =	sshrl.u32 s13, $0x1;
	s2 =	rddreg [dreg:$0x5]  }
0xa: {  	p0 =	sne.s32 s13, $0x0;
	s7 =	sor.u32 s5, s31;
	s8 =	smul.u32 $0xC3800, s4  }
0xb: {  	s4 =	simm.s32 $0x0;
	s5 =	ssub.s32 $0x2, s5;
	s16 =	sshrl.u32 @!p0 s3, $0x3  }
0xc: {  	s9 =	sshll.u32 s7, $0x8;
	[smem:$0x7FF] =	sst s4;
	s10 =	sshrl.u32 s5, $0x1  }
.Ltmp0:
0xd: {  	s9 =	sand.u32 $0x300, s9;
	_ =	strace $0x80000047;
	(pc) =	sbr.rel .LBB2_1-.Ltmp0, $4  }
0xe: {  	s12 =	ssub.s32 s5, s10;
	s5 =	sshll.u32 s7, $0x1;
	s8 =	sor.u32 s8, s9  }
0xf: {  	s7 =	sshll.u32 s13, $0x10;
	s13 =	simm.s32 $0x80;
	s8 =	sshrl.u32 s8, $0x3  }
0x10: {  	s9 =	sadd.s32 $0x1000, s0;
	s11 =	sadd.s32 s11, s5;
	s6 =	sadd.s32 s6, s8  }
0x11: {  	s12 =	smax.u32 s12, $0x1;
	s8 =	sand.u32 $0xE0000, s7;
	s10 =	sadd.s32 $0x10, s6  }
.LBB2_12:
0x12: {  	v0 =	vmul.f32 $3.051757810e-05, v0;
	s24 =	sadd.s32 $0x1, s24  }
0x13: {  	p1 =	sne.s32 s24, s12  }
.Ltmp1:
0x14: {  	[tilespmem:$0x1EB00] =	vst v0;
	(pc) =	sbr.rel @!p1 .LBB2_13-.Ltmp1, $4  }
0x15: {  	[hbm4b:s11+s4] =	stream.linear.scatter [tilespmem:s23], [sflag:$0x4], $0x10, $0x38;
	[tilespmem:$0x1EB80] =	vst v63  }
0x16: {  	_ =	swait.ge [sflag:s17], $0x10  }
0x17: {  	[sflag:s17] =	ssyncset.done $0x0  }
0x18: {  	[sflag:s17] =	ssyncadd.s32 $0xFFFFFFF0  }
.LBB2_1:
0x19: {  	[tilespmem:s15], [sflag:$0x1] =	stream.strided.gather [hbm4b:s6+s13], $0x18700, s14, s13, $0x38;
	[tilespmem:$0x1EB80] =	vst v63  }
0x1a: {  	s25 =	simm.s32 @!p0 $0x1C04  }
0x1b: {  	[spmem:s16], [sflag:s25] =	dma.local @!p0 [hbm:s1], $0x800  }
0x1c: {  	s25 =	simm.s32 @!p0 $0x4  }
0x1d: {  	_ =	swait.ge @!p0 [sflag:s25], $0x800  }
0x1e: {  	[sflag:s25] =	ssyncset.done @!p0 $0x0  }
0x1f: {  	[sflag:s25] =	ssyncadd.s32 @!p0 $0xFFFFF800  }
0x20: {  	[bflag:$0x0] =	sbarrier.arrive $0xFFFF  }
0x21: {  	[tilespmem:s14], [sflag:$0x4] =	stream.linear.gather [spmem:s3], $0x4000, $0x38;
	[tilespmem:$0x1EB80] =	vst v63  }
0x22: {  	_ =	swait.ge [sflag:s17], $0x4000  }
0x23: {  	[sflag:s17] =	ssyncset.done $0x0  }
0x24: {  	p1 =	por $0x1, $0x1;
	v0 =	vimm.f32 $0.0e+00;
	s25 =	simm.s32 $0x0;
	[sflag:s17] =	ssyncadd.s32 $0xFFFFC000  }
.LBB2_2:
0x25: {  	s25 =	sor.u32 s5, s25  }
0x26: {  	s25 =	sshll.u32 s25, $0x7  }
0x27: {  	s25 =	sand.u32 $0x380, s25  }
0x28: {  	s26 =	sor.u32 s8, s25  }
0x29: {  	s26 =	sshrl.u32 s26, $0x3  }
0x2a: {  	s28 =	sadd.s32 s0, s26  }
0x2b: {  	[tilespmem:s18], [sflag:$0x2] =	stream.strided.gather [hbm4b:s28+s13], $0x1000, s14, s13, $0x38;
	[tilespmem:$0x1EB80] =	vst v63  }
0x2c: {  	_ =	swait.ge [sflag:s19], $0x18700  }
0x2d: {  	[sflag:s19] =	ssyncset.done $0x0  }
0x2e: {  	s26 =	sadd.s32 s26, s9;
	[sflag:s19] =	ssyncadd.s32 $0xFFFE7900  }
0x2f: {  	[tilespmem:s20], [sflag:$0x3] =	stream.strided.gather [hbm4b:s26+s13], $0x1000, s14, s13, $0x38;
	[tilespmem:$0x1EB80] =	vst v63  }
0x30: {  	_ =	swait.ge [sflag:s21], $0x1000  }
0x31: {  	[sflag:s21] =	ssyncset.done $0x0  }
0x32: {  	s31 =	simm.s32 $0x440;
	[sflag:s21] =	ssyncadd.s32 $0xFFFFF000  }
0x33: {  	v1 =	vld [tilespmem:s31+$0xFFFFFFC0]  }
0x34: {  	v5 =	vld [tilespmem:s31+$0x30]  }
0x35: {  	v2 =	vld [tilespmem:s31+$0xFFFFFFD0]  }
0x36: {  	v3 =	vld [tilespmem:s31+$0x20]  }
0x37: {  	v4 =	vld [tilespmem:s31+$0xFFFFFFE0]  }
0x38: {  	v6 =	vld [tilespmem:s31+$0x10]  }
0x39: {  	v7 =	vld [tilespmem:s31+$0xFFFFFFF0]  }
0x3a: {  	s26 =	simm.s32 $0x1CB40;
	v8 =	vld [tilespmem:s31+$0x0]  }
0x3b: {  	v9 =	vld [tilespmem:s26+$0xFFFFFFC0]  }
0x3c: {  	v1 =	vld.idx.msk [tilespmem:v1+s15+$0x0], $0xffff  }
0x3d: {  	v10 =	vld [tilespmem:s26+$0xFFFFFFD0]  }
0x3e: {  	v2 =	vld.idx.msk [tilespmem:v2+s15+$0x0], $0xffff  }
0x3f: {  	v11 =	vld [tilespmem:s26+$0xFFFFFFE0]  }
0x40: {  	v4 =	vld.idx.msk [tilespmem:v4+s15+$0x0], $0xffff  }
0x41: {  	v7 =	vld.idx.msk [tilespmem:v7+s15+$0x0], $0xffff;
	v1 =	vsub.f32 v9, v1  }
0x42: {  	v9 =	vld [tilespmem:s26+$0xFFFFFFF0]  }
0x43: {  	v12 =	vld [tilespmem:s26+$0x0];
	v10 =	vsub.f32 v10, v2;
	v1 =	vmul.f32 v1, v1  }
0x44: {  	v8 =	vld.idx.msk [tilespmem:v8+s15+$0x0], $0xffff  }
0x45: {  	v2 =	vld.idx.msk [tilespmem:v6+s15+$0x0], $0xffff;
	v6 =	vmul.f32 v10, v10;
	v10 =	vsub.f32 v11, v4;
	v1 =	vadd.f32 v1, v0  }
0x46: {  	v4 =	vld [tilespmem:s26+$0x10]  }
0x47: {  	v0 =	vld.idx.msk [tilespmem:v3+s15+$0x0], $0xffff;
	v10 =	vmul.f32 v10, v10;
	v7 =	vsub.f32 v9, v7;
	v6 =	vadd.f32 v6, v1  }
0x48: {  	v3 =	vld [tilespmem:s26+$0x20]  }
0x49: {  	v8 =	vsub.f32 v12, v8;
	v1 =	vld.idx.msk [tilespmem:v5+s15+$0x0], $0xffff;
	v7 =	vmul.f32 v7, v7;
	v6 =	vadd.f32 v10, v6  }
0x4a: {  	s29 =	simm.s32 $0x4C0;
	s28 =	simm.s32 $0x0;
	v5 =	vld [tilespmem:s26+$0x30]  }
.LBB2_3:
0x4b: {  	v9 =	vld [tilespmem:s29+$0xFFFFFFC0];
	s28 =	sadd.s32 $0x8, s28;
	v6 =	vadd.f32 v7, v6;
	v7 =	vmul.f32 v8, v8;
	v2 =	vsub.f32 v4, v2  }
0x4c: {  	v10 =	vld [tilespmem:s29+$0x30];
	p2 =	slt.u32 s28, $0xF8  }
0x4d: {  	v4 =	vld [tilespmem:s29+$0xFFFFFFD0];
	v6 =	vadd.f32 v7, v6;
	v2 =	vmul.f32 v2, v2;
	v0 =	vsub.f32 v3, v0  }
0x4e: {  	v3 =	vld [tilespmem:s29+$0x20]  }
0x4f: {  	v7 =	vld [tilespmem:s29+$0xFFFFFFE0];
	v2 =	vadd.f32 v2, v6;
	v0 =	vmul.f32 v0, v0;
	v1 =	vsub.f32 v5, v1  }
0x50: {  	v5 =	vld [tilespmem:s29+$0x10]  }
0x51: {  	v6 =	vld [tilespmem:s29+$0xFFFFFFF0];
	v0 =	vadd.f32 v0, v2;
	v1 =	vmul.f32 v1, v1  }
0x52: {  	v2 =	vld [tilespmem:s29+$0x0]  }
0x53: {  	s26 =	sadd.s32 $0x80, s26;
	v8 =	vld.idx.msk [tilespmem:v9+s15+$0x0], $0xffff;
	v0 =	vadd.f32 v1, v0  }
0x54: {  	v1 =	vld [tilespmem:s26+$0xFFFFFFC0]  }
0x55: {  	v4 =	vld.idx.msk [tilespmem:v4+s15+$0x0], $0xffff  }
0x56: {  	v9 =	vld [tilespmem:s26+$0xFFFFFFD0]  }
0x57: {  	v7 =	vld.idx.msk [tilespmem:v7+s15+$0x0], $0xffff  }
0x58: {  	v11 =	vld [tilespmem:s26+$0xFFFFFFE0]  }
0x59: {  	v1 =	vsub.f32 v1, v8;
	v6 =	vld.idx.msk [tilespmem:v6+s15+$0x0], $0xffff  }
0x5a: {  	v8 =	vld [tilespmem:s26+$0xFFFFFFF0]  }
0x5b: {  	v1 =	vmul.f32 v1, v1;
	v4 =	vsub.f32 v9, v4;
	v9 =	vld.idx.msk [tilespmem:v2+s15+$0x0], $0xffff  }
0x5c: {  	v12 =	vld [tilespmem:s26+$0x0]  }
0x5d: {  	v0 =	vadd.f32 v1, v0;
	v1 =	vmul.f32 v4, v4;
	v7 =	vsub.f32 v11, v7;
	v2 =	vld.idx.msk [tilespmem:v5+s15+$0x0], $0xffff  }
.Ltmp2:
0x5e: {  	v4 =	vld [tilespmem:s26+$0x10];
	(pc) =	sbr.rel @p2 .LBB2_3-.Ltmp2, $4  }
0x5f: {  	v1 =	vadd.f32 v1, v0;
	v5 =	vmul.f32 v7, v7;
	v7 =	vsub.f32 v8, v6;
	v0 =	vld.idx.msk [tilespmem:v3+s15+$0x0], $0xffff  }
0x60: {  	v3 =	vld [tilespmem:s26+$0x20]  }
0x61: {  	v6 =	vadd.f32 v5, v1;
	v7 =	vmul.f32 v7, v7;
	v8 =	vsub.f32 v12, v9;
	v1 =	vld.idx.msk [tilespmem:v10+s15+$0x0], $0xffff  }
0x62: {  	s29 =	sadd.s32 $0x80, s29;
	v5 =	vld [tilespmem:s26+$0x30]  }
0x63: {  	s25 =	sor.u32 s7, s25  }
0x64: {  	s25 =	sshrl.u32 s25, $0x3  }
0x65: {  	s26 =	sor.u32 $0x2000, s25  }
0x66: {  	s26 =	sadd.s32 s0, s26  }
0x67: {  	[tilespmem:s18], [sflag:$0x2] =	stream.strided.gather [hbm4b:s26+s13], $0x1000, s14, s13, $0x38;
	[tilespmem:$0x1EB80] =	vst v63  }
0x68: {  	_ =	swait.ge [sflag:s22], $0x1000  }
0x69: {  	[sflag:s22] =	ssyncset.done $0x0  }
0x6a: {  	s31 =	simm.s32 $0x1470;
	[sflag:s22] =	ssyncadd.s32 $0xFFFFF000  }
0x6b: {  	v9 =	vld [tilespmem:s31+$0xFFFFFF90]  }
0x6c: {  	v10 =	vld [tilespmem:s31+$0x0]  }
0x6d: {  	v11 =	vld [tilespmem:s31+$0xFFFFFFA0]  }
0x6e: {  	v12 =	vld [tilespmem:s31+$0xFFFFFFF0]  }
0x6f: {  	v13 =	vld [tilespmem:s31+$0xFFFFFFB0]  }
0x70: {  	v14 =	vld [tilespmem:s31+$0xFFFFFFE0]  }
0x71: {  	v15 =	vld [tilespmem:s31+$0xFFFFFFC0]  }
0x72: {  	s26 =	simm.s32 $0x1DB40;
	v16 =	vld [tilespmem:s31+$0xFFFFFFD0]  }
0x73: {  	v6 =	vadd.f32 v7, v6;
	v7 =	vmul.f32 v8, v8;
	v2 =	vsub.f32 v4, v2;
	v4 =	vld [tilespmem:s26+$0xFFFFFFC0]  }
0x74: {  	v9 =	vld.idx.msk [tilespmem:v9+s15+$0x0], $0xffff  }
0x75: {  	v6 =	vadd.f32 v7, v6;
	v2 =	vmul.f32 v2, v2;
	v0 =	vsub.f32 v3, v0;
	v3 =	vld [tilespmem:s26+$0xFFFFFFD0]  }
0x76: {  	v8 =	vld.idx.msk [tilespmem:v11+s15+$0x0], $0xffff  }
0x77: {  	v2 =	vadd.f32 v2, v6;
	v0 =	vmul.f32 v0, v0;
	v1 =	vsub.f32 v5, v1;
	v5 =	vld [tilespmem:s26+$0xFFFFFFE0]  }
0x78: {  	v7 =	vld.idx.msk [tilespmem:v13+s15+$0x0], $0xffff  }
0x79: {  	v0 =	vadd.f32 v0, v2;
	v1 =	vmul.f32 v1, v1;
	v6 =	vld.idx.msk [tilespmem:v15+s15+$0x0], $0xffff;
	v2 =	vsub.f32 v4, v9  }
0x7a: {  	v9 =	vld [tilespmem:s26+$0xFFFFFFF0]  }
0x7b: {  	v0 =	vadd.f32 v1, v0;
	v11 =	vld.idx.msk [tilespmem:v16+s15+$0x0], $0xffff;
	v3 =	vsub.f32 v3, v8;
	v1 =	vmul.f32 v2, v2  }
0x7c: {  	v8 =	vld [tilespmem:s26+$0x0]  }
0x7d: {  	v5 =	vsub.f32 v5, v7;
	v4 =	vld [tilespmem:s26+$0x10];
	v3 =	vmul.f32 v3, v3;
	v1 =	vadd.f32 v1, v0  }
0x7e: {  	v2 =	vld.idx.msk [tilespmem:v14+s15+$0x0], $0xffff  }
0x7f: {  	v5 =	vmul.f32 v5, v5;
	v0 =	vld.idx.msk [tilespmem:v12+s15+$0x0], $0xffff;
	v9 =	vsub.f32 v9, v6;
	v7 =	vadd.f32 v3, v1  }
0x80: {  	v3 =	vld [tilespmem:s26+$0x20]  }
0x81: {  	v8 =	vsub.f32 v8, v11;
	v1 =	vld.idx.msk [tilespmem:v10+s15+$0x0], $0xffff;
	v6 =	vadd.f32 v5, v7;
	v7 =	vmul.f32 v9, v9  }
0x82: {  	s28 =	simm.s32 $0x0;
	s29 =	simm.s32 $0x14F0;
	v5 =	vld [tilespmem:s26+$0x30]  }
.LBB2_5:
0x83: {  	v9 =	vld [tilespmem:s29+$0xFFFFFF90];
	s28 =	sadd.s32 $0x8, s28;
	v6 =	vadd.f32 v7, v6;
	v7 =	vmul.f32 v8, v8;
	v2 =	vsub.f32 v4, v2  }
0x84: {  	v10 =	vld [tilespmem:s29+$0x0];
	p2 =	slt.u32 s28, $0xF8  }
0x85: {  	v4 =	vld [tilespmem:s29+$0xFFFFFFA0];
	v6 =	vadd.f32 v7, v6;
	v2 =	vmul.f32 v2, v2;
	v0 =	vsub.f32 v3, v0  }
0x86: {  	v3 =	vld [tilespmem:s29+$0xFFFFFFF0]  }
0x87: {  	v7 =	vld [tilespmem:s29+$0xFFFFFFB0];
	v2 =	vadd.f32 v2, v6;
	v0 =	vmul.f32 v0, v0;
	v1 =	vsub.f32 v5, v1  }
0x88: {  	v5 =	vld [tilespmem:s29+$0xFFFFFFE0]  }
0x89: {  	v6 =	vld [tilespmem:s29+$0xFFFFFFC0];
	v0 =	vadd.f32 v0, v2;
	v1 =	vmul.f32 v1, v1  }
0x8a: {  	v2 =	vld [tilespmem:s29+$0xFFFFFFD0]  }
0x8b: {  	s26 =	sadd.s32 $0x80, s26;
	v8 =	vld.idx.msk [tilespmem:v9+s15+$0x0], $0xffff;
	v0 =	vadd.f32 v1, v0  }
0x8c: {  	v1 =	vld [tilespmem:s26+$0xFFFFFFC0]  }
0x8d: {  	v4 =	vld.idx.msk [tilespmem:v4+s15+$0x0], $0xffff  }
0x8e: {  	v9 =	vld [tilespmem:s26+$0xFFFFFFD0]  }
0x8f: {  	v7 =	vld.idx.msk [tilespmem:v7+s15+$0x0], $0xffff  }
0x90: {  	v11 =	vld [tilespmem:s26+$0xFFFFFFE0]  }
0x91: {  	v1 =	vsub.f32 v1, v8;
	v6 =	vld.idx.msk [tilespmem:v6+s15+$0x0], $0xffff  }
0x92: {  	v8 =	vld [tilespmem:s26+$0xFFFFFFF0]  }
0x93: {  	v1 =	vmul.f32 v1, v1;
	v4 =	vsub.f32 v9, v4;
	v9 =	vld.idx.msk [tilespmem:v2+s15+$0x0], $0xffff  }
0x94: {  	v12 =	vld [tilespmem:s26+$0x0]  }
0x95: {  	v0 =	vadd.f32 v1, v0;
	v1 =	vmul.f32 v4, v4;
	v7 =	vsub.f32 v11, v7;
	v2 =	vld.idx.msk [tilespmem:v5+s15+$0x0], $0xffff  }
.Ltmp3:
0x96: {  	v4 =	vld [tilespmem:s26+$0x10];
	(pc) =	sbr.rel @p2 .LBB2_5-.Ltmp3, $4  }
0x97: {  	v1 =	vadd.f32 v1, v0;
	v5 =	vmul.f32 v7, v7;
	v7 =	vsub.f32 v8, v6;
	v0 =	vld.idx.msk [tilespmem:v3+s15+$0x0], $0xffff  }
0x98: {  	v3 =	vld [tilespmem:s26+$0x20]  }
0x99: {  	v6 =	vadd.f32 v5, v1;
	v7 =	vmul.f32 v7, v7;
	v8 =	vsub.f32 v12, v9;
	v1 =	vld.idx.msk [tilespmem:v10+s15+$0x0], $0xffff  }
0x9a: {  	s29 =	sadd.s32 $0x80, s29;
	v5 =	vld [tilespmem:s26+$0x30]  }
0x9b: {  	s25 =	sor.u32 $0x3000, s25  }
0x9c: {  	s25 =	sadd.s32 s0, s25  }
0x9d: {  	[tilespmem:s20], [sflag:$0x3] =	stream.strided.gather [hbm4b:s25+s13], $0x1000, s14, s13, $0x38;
	[tilespmem:$0x1EB80] =	vst v63  }
0x9e: {  	_ =	swait.ge [sflag:s21], $0x1000  }
0x9f: {  	[sflag:s21] =	ssyncset.done $0x0  }
0xa0: {  	s31 =	simm.s32 $0x2470;
	[sflag:s21] =	ssyncadd.s32 $0xFFFFF000  }
0xa1: {  	v9 =	vld [tilespmem:s31+$0xFFFFFF90]  }
0xa2: {  	v10 =	vld [tilespmem:s31+$0x0]  }
0xa3: {  	v11 =	vld [tilespmem:s31+$0xFFFFFFA0]  }
0xa4: {  	v12 =	vld [tilespmem:s31+$0xFFFFFFF0]  }
0xa5: {  	v13 =	vld [tilespmem:s31+$0xFFFFFFB0]  }
0xa6: {  	v14 =	vld [tilespmem:s31+$0xFFFFFFE0]  }
0xa7: {  	v15 =	vld [tilespmem:s31+$0xFFFFFFC0]  }
0xa8: {  	s25 =	simm.s32 $0x1CB40;
	v16 =	vld [tilespmem:s31+$0xFFFFFFD0]  }
0xa9: {  	v6 =	vadd.f32 v7, v6;
	v7 =	vmul.f32 v8, v8;
	v2 =	vsub.f32 v4, v2;
	v4 =	vld [tilespmem:s25+$0xFFFFFFC0]  }
0xaa: {  	v9 =	vld.idx.msk [tilespmem:v9+s15+$0x0], $0xffff  }
0xab: {  	v6 =	vadd.f32 v7, v6;
	v2 =	vmul.f32 v2, v2;
	v0 =	vsub.f32 v3, v0;
	v3 =	vld [tilespmem:s25+$0xFFFFFFD0]  }
0xac: {  	v8 =	vld.idx.msk [tilespmem:v11+s15+$0x0], $0xffff  }
0xad: {  	v2 =	vadd.f32 v2, v6;
	v0 =	vmul.f32 v0, v0;
	v1 =	vsub.f32 v5, v1;
	v5 =	vld [tilespmem:s25+$0xFFFFFFE0]  }
0xae: {  	v7 =	vld.idx.msk [tilespmem:v13+s15+$0x0], $0xffff  }
0xaf: {  	v0 =	vadd.f32 v0, v2;
	v1 =	vmul.f32 v1, v1;
	v6 =	vld.idx.msk [tilespmem:v15+s15+$0x0], $0xffff;
	v2 =	vsub.f32 v4, v9  }
0xb0: {  	v9 =	vld [tilespmem:s25+$0xFFFFFFF0]  }
0xb1: {  	v0 =	vadd.f32 v1, v0;
	v11 =	vld.idx.msk [tilespmem:v16+s15+$0x0], $0xffff;
	v3 =	vsub.f32 v3, v8;
	v1 =	vmul.f32 v2, v2  }
0xb2: {  	v8 =	vld [tilespmem:s25+$0x0]  }
0xb3: {  	v5 =	vsub.f32 v5, v7;
	v4 =	vld [tilespmem:s25+$0x10];
	v3 =	vmul.f32 v3, v3;
	v1 =	vadd.f32 v1, v0  }
0xb4: {  	v2 =	vld.idx.msk [tilespmem:v14+s15+$0x0], $0xffff  }
0xb5: {  	v5 =	vmul.f32 v5, v5;
	v0 =	vld.idx.msk [tilespmem:v12+s15+$0x0], $0xffff;
	v9 =	vsub.f32 v9, v6;
	v7 =	vadd.f32 v3, v1  }
0xb6: {  	v3 =	vld [tilespmem:s25+$0x20]  }
0xb7: {  	v8 =	vsub.f32 v8, v11;
	v1 =	vld.idx.msk [tilespmem:v10+s15+$0x0], $0xffff;
	v6 =	vadd.f32 v5, v7;
	v7 =	vmul.f32 v9, v9  }
0xb8: {  	s26 =	simm.s32 $0x0;
	s28 =	simm.s32 $0x24F0;
	v5 =	vld [tilespmem:s25+$0x30]  }
.LBB2_7:
0xb9: {  	v9 =	vld [tilespmem:s28+$0xFFFFFF90];
	s26 =	sadd.s32 $0x8, s26;
	v6 =	vadd.f32 v7, v6;
	v7 =	vmul.f32 v8, v8;
	v2 =	vsub.f32 v4, v2  }
0xba: {  	v10 =	vld [tilespmem:s28+$0x0];
	p2 =	slt.u32 s26, $0xF8  }
0xbb: {  	v4 =	vld [tilespmem:s28+$0xFFFFFFA0];
	v6 =	vadd.f32 v7, v6;
	v2 =	vmul.f32 v2, v2;
	v0 =	vsub.f32 v3, v0  }
0xbc: {  	v3 =	vld [tilespmem:s28+$0xFFFFFFF0]  }
0xbd: {  	v7 =	vld [tilespmem:s28+$0xFFFFFFB0];
	v2 =	vadd.f32 v2, v6;
	v0 =	vmul.f32 v0, v0;
	v1 =	vsub.f32 v5, v1  }
0xbe: {  	v5 =	vld [tilespmem:s28+$0xFFFFFFE0]  }
0xbf: {  	v6 =	vld [tilespmem:s28+$0xFFFFFFC0];
	v0 =	vadd.f32 v0, v2;
	v1 =	vmul.f32 v1, v1  }
0xc0: {  	v2 =	vld [tilespmem:s28+$0xFFFFFFD0]  }
0xc1: {  	s25 =	sadd.s32 $0x80, s25;
	v8 =	vld.idx.msk [tilespmem:v9+s15+$0x0], $0xffff;
	v0 =	vadd.f32 v1, v0  }
0xc2: {  	v1 =	vld [tilespmem:s25+$0xFFFFFFC0]  }
0xc3: {  	v4 =	vld.idx.msk [tilespmem:v4+s15+$0x0], $0xffff  }
0xc4: {  	v9 =	vld [tilespmem:s25+$0xFFFFFFD0]  }
0xc5: {  	v7 =	vld.idx.msk [tilespmem:v7+s15+$0x0], $0xffff  }
0xc6: {  	v11 =	vld [tilespmem:s25+$0xFFFFFFE0]  }
0xc7: {  	v1 =	vsub.f32 v1, v8;
	v6 =	vld.idx.msk [tilespmem:v6+s15+$0x0], $0xffff  }
0xc8: {  	v8 =	vld [tilespmem:s25+$0xFFFFFFF0]  }
0xc9: {  	v1 =	vmul.f32 v1, v1;
	v4 =	vsub.f32 v9, v4;
	v9 =	vld.idx.msk [tilespmem:v2+s15+$0x0], $0xffff  }
0xca: {  	v12 =	vld [tilespmem:s25+$0x0]  }
0xcb: {  	v0 =	vadd.f32 v1, v0;
	v1 =	vmul.f32 v4, v4;
	v7 =	vsub.f32 v11, v7;
	v2 =	vld.idx.msk [tilespmem:v5+s15+$0x0], $0xffff  }
.Ltmp4:
0xcc: {  	v4 =	vld [tilespmem:s25+$0x10];
	(pc) =	sbr.rel @p2 .LBB2_7-.Ltmp4, $4  }
0xcd: {  	v1 =	vadd.f32 v1, v0;
	v5 =	vmul.f32 v7, v7;
	v7 =	vsub.f32 v8, v6;
	v0 =	vld.idx.msk [tilespmem:v3+s15+$0x0], $0xffff  }
0xce: {  	v3 =	vld [tilespmem:s25+$0x20]  }
0xcf: {  	v6 =	vadd.f32 v5, v1;
	v7 =	vmul.f32 v7, v7;
	v8 =	vsub.f32 v12, v9;
	v1 =	vld.idx.msk [tilespmem:v10+s15+$0x0], $0xffff  }
0xd0: {  	s28 =	sadd.s32 $0x80, s28;
	v5 =	vld [tilespmem:s25+$0x30]  }
0xd1: {  	_ =	swait.ge [sflag:s22], $0x1000  }
0xd2: {  	[sflag:s22] =	ssyncset.done $0x0  }
0xd3: {  	s25 =	simm.s32 $0x3470;
	[sflag:s22] =	ssyncadd.s32 $0xFFFFF000  }
0xd4: {  	v9 =	vld [tilespmem:s25+$0xFFFFFF90]  }
0xd5: {  	v10 =	vld [tilespmem:s25+$0x0]  }
0xd6: {  	v11 =	vld [tilespmem:s25+$0xFFFFFFA0]  }
0xd7: {  	v12 =	vld [tilespmem:s25+$0xFFFFFFF0]  }
0xd8: {  	v13 =	vld [tilespmem:s25+$0xFFFFFFB0]  }
0xd9: {  	v14 =	vld [tilespmem:s25+$0xFFFFFFE0]  }
0xda: {  	v15 =	vld [tilespmem:s25+$0xFFFFFFC0]  }
0xdb: {  	v16 =	vld [tilespmem:s25+$0xFFFFFFD0];
	s25 =	simm.s32 $0x1DB40  }
0xdc: {  	v6 =	vadd.f32 v7, v6;
	v7 =	vmul.f32 v8, v8;
	v2 =	vsub.f32 v4, v2;
	v4 =	vld [tilespmem:s25+$0xFFFFFFC0]  }
0xdd: {  	v9 =	vld.idx.msk [tilespmem:v9+s15+$0x0], $0xffff  }
0xde: {  	v6 =	vadd.f32 v7, v6;
	v2 =	vmul.f32 v2, v2;
	v0 =	vsub.f32 v3, v0;
	v3 =	vld [tilespmem:s25+$0xFFFFFFD0]  }
0xdf: {  	v8 =	vld.idx.msk [tilespmem:v11+s15+$0x0], $0xffff  }
0xe0: {  	v2 =	vadd.f32 v2, v6;
	v0 =	vmul.f32 v0, v0;
	v1 =	vsub.f32 v5, v1;
	v5 =	vld [tilespmem:s25+$0xFFFFFFE0]  }
0xe1: {  	v7 =	vld.idx.msk [tilespmem:v13+s15+$0x0], $0xffff  }
0xe2: {  	v0 =	vadd.f32 v0, v2;
	v1 =	vmul.f32 v1, v1;
	v6 =	vld.idx.msk [tilespmem:v15+s15+$0x0], $0xffff;
	v2 =	vsub.f32 v4, v9  }
0xe3: {  	v4 =	vld [tilespmem:s25+$0xFFFFFFF0]  }
0xe4: {  	v1 =	vadd.f32 v1, v0;
	v9 =	vld.idx.msk [tilespmem:v16+s15+$0x0], $0xffff;
	v3 =	vsub.f32 v3, v8;
	v2 =	vmul.f32 v2, v2  }
0xe5: {  	v8 =	vld [tilespmem:s25+$0x0]  }
0xe6: {  	v0 =	vld.idx.msk [tilespmem:v14+s15+$0x0], $0xffff;
	v5 =	vsub.f32 v5, v7;
	v11 =	vmul.f32 v3, v3;
	v2 =	vadd.f32 v2, v1  }
0xe7: {  	v3 =	vld [tilespmem:s25+$0x10]  }
0xe8: {  	v5 =	vmul.f32 v5, v5;
	v1 =	vld.idx.msk [tilespmem:v12+s15+$0x0], $0xffff;
	v7 =	vadd.f32 v11, v2;
	v11 =	vsub.f32 v4, v6  }
0xe9: {  	v4 =	vld [tilespmem:s25+$0x20]  }
0xea: {  	v8 =	vsub.f32 v8, v9;
	v2 =	vld.idx.msk [tilespmem:v10+s15+$0x0], $0xffff;
	v6 =	vadd.f32 v5, v7;
	v7 =	vmul.f32 v11, v11  }
0xeb: {  	s26 =	simm.s32 $0x0;
	s28 =	simm.s32 $0x34F0;
	v5 =	vld [tilespmem:s25+$0x30]  }
.LBB2_9:
0xec: {  	v9 =	vld [tilespmem:s28+$0xFFFFFF90];
	s26 =	sadd.s32 $0x8, s26;
	v6 =	vadd.f32 v7, v6;
	v7 =	vmul.f32 v8, v8;
	v0 =	vsub.f32 v3, v0  }
0xed: {  	v10 =	vld [tilespmem:s28+$0x0];
	p2 =	slt.u32 s26, $0xF8  }
0xee: {  	v3 =	vld [tilespmem:s28+$0xFFFFFFA0];
	v6 =	vadd.f32 v7, v6;
	v0 =	vmul.f32 v0, v0;
	v1 =	vsub.f32 v4, v1  }
0xef: {  	v4 =	vld [tilespmem:s28+$0xFFFFFFF0]  }
0xf0: {  	v7 =	vld [tilespmem:s28+$0xFFFFFFB0];
	v0 =	vadd.f32 v0, v6;
	v1 =	vmul.f32 v1, v1;
	v2 =	vsub.f32 v5, v2  }
0xf1: {  	v5 =	vld [tilespmem:s28+$0xFFFFFFE0]  }
0xf2: {  	v6 =	vld [tilespmem:s28+$0xFFFFFFC0];
	v0 =	vadd.f32 v1, v0;
	v1 =	vmul.f32 v2, v2  }
0xf3: {  	v2 =	vld [tilespmem:s28+$0xFFFFFFD0]  }
0xf4: {  	s25 =	sadd.s32 $0x80, s25;
	v8 =	vld.idx.msk [tilespmem:v9+s15+$0x0], $0xffff;
	v0 =	vadd.f32 v1, v0  }
0xf5: {  	v1 =	vld [tilespmem:s25+$0xFFFFFFC0]  }
0xf6: {  	v3 =	vld.idx.msk [tilespmem:v3+s15+$0x0], $0xffff  }
0xf7: {  	v9 =	vld [tilespmem:s25+$0xFFFFFFD0]  }
0xf8: {  	v7 =	vld.idx.msk [tilespmem:v7+s15+$0x0], $0xffff  }
0xf9: {  	v11 =	vld [tilespmem:s25+$0xFFFFFFE0]  }
0xfa: {  	v1 =	vsub.f32 v1, v8;
	v6 =	vld.idx.msk [tilespmem:v6+s15+$0x0], $0xffff  }
0xfb: {  	v8 =	vld [tilespmem:s25+$0xFFFFFFF0]  }
0xfc: {  	v1 =	vmul.f32 v1, v1;
	v3 =	vsub.f32 v9, v3;
	v2 =	vld.idx.msk [tilespmem:v2+s15+$0x0], $0xffff  }
0xfd: {  	v9 =	vld [tilespmem:s25+$0x0]  }
0xfe: {  	v1 =	vadd.f32 v1, v0;
	v12 =	vmul.f32 v3, v3;
	v7 =	vsub.f32 v11, v7;
	v0 =	vld.idx.msk [tilespmem:v5+s15+$0x0], $0xffff  }
.Ltmp5:
0xff: {  	v3 =	vld [tilespmem:s25+$0x10];
	(pc) =	sbr.rel @p2 .LBB2_9-.Ltmp5, $4  }
0x100: {  	v5 =	vadd.f32 v12, v1;
	v7 =	vmul.f32 v7, v7;
	v8 =	vsub.f32 v8, v6;
	v1 =	vld.idx.msk [tilespmem:v4+s15+$0x0], $0xffff  }
0x101: {  	v4 =	vld [tilespmem:s25+$0x20]  }
0x102: {  	v6 =	vadd.f32 v7, v5;
	v7 =	vmul.f32 v8, v8;
	v8 =	vsub.f32 v9, v2;
	v2 =	vld.idx.msk [tilespmem:v10+s15+$0x0], $0xffff  }
0x103: {  	s28 =	sadd.s32 $0x80, s28;
	v5 =	vld [tilespmem:s25+$0x30]  }
0x104: {  	v6 =	vadd.f32 v7, v6;
	v63 =	vmul.f32 v8, v8;
	v0 =	vsub.f32 v3, v0;
	_ =	sdelay $0x1  }
0x105: {  	v3 =	vadd.f32 v63, v6;
	v0 =	vmul.f32 v0, v0;
	v1 =	vsub.f32 v4, v1;
	_ =	sdelay $0x1  }
0x106: {  	v0 =	vadd.f32 v0, v3;
	v1 =	vmul.f32 v1, v1;
	v2 =	vsub.f32 v5, v2  }
.Ltmp6:
0x107: {  	_ = 	snop;
	(pc) =	sbr.rel @!p1 .LBB2_12-.Ltmp6, $2  }
0x108: {  	v0 =	vadd.f32 v1, v0;
	v1 =	vmul.f32 v2, v2;
	_ =	sdelay $0x1  }
0x109: {  	v0 =	vadd.f32 v1, v0;
	_ =	sdelay $0x1  }
.Ltmp7:
0x10a: {  	(pc) =	sbr.rel .LBB2_2-.Ltmp7, $3  }
0x10b: {  	_ =	sdelay $0x1  }
0x10c: {  	[tilespmem:s15], [sflag:$0x1] =	stream.strided.gather [hbm4b:s10+s13], $0x18700, s14, s13, $0x38;
	[tilespmem:$0x1EB80] =	vst v63  }
0x10d: {  	s25 =	simm.s32 $0x1;
	p1 =	por $0x0, $0x0  }
.LBB2_13:
0x10e: {  	_ =	sfence.sel $0x180000  }
0x10f: {  	[bflag:$0x0] =	sbarrier.arrive $0xFFFF  }
0x110: {  	_ =	strace $0x90000047  }
0x111: {  	s0 =	sadd.s32 @!p0 $0x100000, s2;
	[bflag:$0x2] =	sbarrier.arrive $0xFFFF  }
0x112: {  	[sflag:s0] =	ssyncadd.tile.s32 @!p0 $0x1;
	_ =	shalt  }
.Lfunc_end2:
_tile_overlayer_lowered:
.L_overlay_start_2:
0x113: {  	(tag) =	ssettag $0x2  }
0x114: {  	s0 =	rddreg [dreg:$0x0];
	s2 =	stileid.u32  }
0x115: {  	s1 =	rddreg [dreg:$0x1];
	p0 =	sne.s32 s2, $0x0  }
0x116: {  	s3 =	rddreg [dreg:$0x2];
	[bflag:$0x3] =	sbarrier.arrive $0xFFFF;
	s2 =	simm.s32 @!p0 $0x1C04  }
0x117: {  	[timem:s3], [sflag:s2] =	dma.local @!p0 [hbm:s0], s1  }
0x118: {  	s0 =	simm.s32 @!p0 $0x4  }
0x119: {  	_ =	swait.ge @!p0 [sflag:s0], s1  }
0x11a: {  	s1 =	ssub.s32 @!p0 $0x0, s1;
	[sflag:s0] =	ssyncset.done @!p0 $0x0  }
0x11b: {  	[sflag:s0] =	ssyncadd.s32 @!p0 s1  }
0x11c: {  	[bflag:$0x3] =	sbarrier.arrive $0xFFFF  }
0x11d: {  	_ =	shalt  }

</sc_bundles>
